<compile_context>
chip_gen: v7x
topology: tpu7x:2x2x1
jax: 0.10.2.dev20260603
libtpu: 0.0.44.dev20260713+nightly
codegen_flags: <defaults>
</compile_context>

<pallas_src>
import functools

import jax
import jax.numpy as jnp
from jax import lax
from jax.experimental import pallas as pl
from jax.experimental.pallas import tpu as pltpu
from jax.experimental.pallas import tpu_sc as plsc

N = 100000
D = 24
V = 84
VP = 96

_info = plsc.get_sparse_core_info()
_NC, _NS = _info.num_cores, _info.num_subcores
NW = _NC * _NS
NP = 100096
SLAB = 1024
NFULL = NP // SLAB
TAIL = NP - NFULL * SLAB
TVAL = N - NFULL * SLAB
KMAIN = NFULL // NW


_mesh = plsc.VectorSubcoreMesh(core_axis_name="c", subcore_axis_name="s")


@functools.partial(
    pl.kernel,
    mesh=_mesh,
    out_type=jax.ShapeDtypeStruct((D, N), jnp.float32),
    scratch_types=[
        pltpu.VMEM((SLAB,), jnp.int32),
        pltpu.VMEM((SLAB,), jnp.int32),
        pltpu.VMEM((SLAB,), jnp.int32),
        pltpu.VMEM((SLAB,), jnp.int32),
        pltpu.VMEM((2 * VP,), jnp.int32),
        pltpu.VMEM((D, SLAB), jnp.float32),
        pltpu.VMEM((D, SLAB), jnp.float32),
        pltpu.VMEM((D, SLAB), jnp.float32),
        pltpu.VMEM((D, SLAB), jnp.float32),
        pltpu.SemaphoreType.DMA,
        pltpu.SemaphoreType.DMA,
        pltpu.SemaphoreType.DMA,
        pltpu.SemaphoreType.DMA,
        pltpu.SemaphoreType.DMA,
    ],
    compiler_params=pltpu.CompilerParams(
        use_tc_tiling_on_sc=True,
        needs_layout_passes=False,
        disable_bounds_checks=True,
    ),
)
def _scatter_onehot(
    an_hbm, gm_hbm, rm_hbm, out_hbm,
    idx0, idx1, idx2, idx3, cols_v,
    rows0, rows1, rows2, rows3,
    sem0, sem1, sem2, sem3, sem_out,
):
    wid = lax.axis_index("s") * _NC + lax.axis_index("c")
    idx = [idx0, idx1, idx2, idx3]
    rows = [rows0, rows1, rows2, rows3]
    sems = [sem0, sem1, sem2, sem3]

    lane = lax.iota(jnp.int32, 16)
    zf = jnp.zeros((16,), jnp.float32)
    onef = jnp.ones((16,), jnp.float32)

    bases = [pl.multiple_of((wid + NW * k) * SLAB, 128) for k in range(KMAIN)]
    for k in range(KMAIN):
        pltpu.async_copy(an_hbm.at[pl.ds(bases[k], SLAB)], idx[k], sems[k])

    @pl.when(wid == 0)
    def _():
        pltpu.async_copy(
            an_hbm.at[pl.ds(KMAIN * NW * SLAB, SLAB)], idx[3], sems[3]
        )

    @pl.when(wid == 1)
    def _():
        pltpu.async_copy(
            an_hbm.at[pl.ds(NFULL * SLAB, TVAL)],
            idx[3].at[pl.ds(0, TVAL)],
            sems[3],
        )

    pltpu.sync_copy(gm_hbm, cols_v.at[pl.ds(0, V)])
    pltpu.sync_copy(rm_hbm, cols_v.at[pl.ds(VP, V)])
    for t in range(VP // 16):
        o = pl.multiple_of(VP + t * 16, 16)
        cols_v[pl.ds(o, 16)] = cols_v[pl.ds(o, 16)] + 18

    def fill_chunk(idx_v, rows_v, zero_only):
        def chunk(c, carry):
            o = pl.multiple_of(c * 16, 16)
            for j in range(D):
                rows_v[j, pl.ds(o, 16)] = zf
            if not zero_only:
                v = idx_v[pl.ds(o, 16)]
                c1 = plsc.load_gather(cols_v, [v])
                c2 = plsc.load_gather(cols_v, [v + VP])
                ivec = o + lane
                plsc.store_scatter(rows_v, [c1, ivec], onef)
                plsc.store_scatter(rows_v, [c2, ivec], onef)
            return carry

        return chunk

    for k in range(KMAIN):
        pltpu.make_async_copy(an_hbm.at[pl.ds(bases[k], SLAB)], idx[k], sems[k]).wait()
        lax.fori_loop(0, SLAB // 16, fill_chunk(idx[k], rows[k], False), 0)
        pltpu.async_copy(rows[k], out_hbm.at[:, pl.ds(bases[k], SLAB)], sem_out)

    @pl.when(wid == 0)
    def _():
        base = KMAIN * NW * SLAB
        pltpu.make_async_copy(
            an_hbm.at[pl.ds(base, SLAB)], idx[3], sems[3]
        ).wait()
        lax.fori_loop(0, SLAB // 16, fill_chunk(idx[3], rows[3], False), 0)
        pltpu.async_copy(rows[3], out_hbm.at[:, pl.ds(base, SLAB)], sem_out)

    @pl.when(wid == 1)
    def _():
        base = NFULL * SLAB
        pltpu.make_async_copy(
            an_hbm.at[pl.ds(base, TVAL)], idx[3].at[pl.ds(0, TVAL)], sems[3]
        ).wait()
        lax.fori_loop(0, TAIL // 16, fill_chunk(idx[3], rows[3], True), 0)
        lax.fori_loop(0, TVAL // 16, fill_chunk(idx[3], rows[3], False), 0)
        dbase = pl.multiple_of((wid - 1 + NFULL) * SLAB, 128)
        pltpu.async_copy(
            rows[3].at[:, pl.ds(0, TAIL)], out_hbm.at[:, pl.ds(dbase, TAIL)], sem_out
        )

    for k in range(KMAIN):
        pltpu.make_async_copy(
            rows[k], out_hbm.at[:, pl.ds(bases[k], SLAB)], sem_out
        ).wait()

    @pl.when(wid == 0)
    def _():
        pltpu.make_async_copy(
            rows[3], out_hbm.at[:, pl.ds(KMAIN * NW * SLAB, SLAB)], sem_out
        ).wait()

    @pl.when(wid == 1)
    def _():
        dbase = pl.multiple_of((wid - 1 + NFULL) * SLAB, 128)
        pltpu.make_async_copy(
            rows[3].at[:, pl.ds(0, TAIL)],
            out_hbm.at[:, pl.ds(dbase, TAIL)],
            sem_out,
        ).wait()


def kernel(atomic_number, group_mapping, row_mapping):
    out_t = _scatter_onehot(
        atomic_number, group_mapping[:V], row_mapping[:V]
    )
    return out_t.T

# --- scband reference (transcript-rebuilt; emitter-appended) ---
"""Pipeline reference for scband-group-period-embedding-27307402068526 (READ-ONLY COPY).

The authoritative reference and input builder live on the scoring server;
editing this copy changes nothing except your own understanding.
"""

import jax, jax.numpy as jnp
import numpy as np

_GROUP = np.array([0, 1, 18, 1, 2, 13, 14, 15, 16, 17, 18, 1, 2, 13, 14, 15, 16, 17, 18, 1, 2, 3, 4, 5, 6, 7, 8, 9, 10, 11, 12, 13, 14, 15, 16, 17, 18, 1, 2, 3, 4, 5, 6, 7, 8, 9, 10, 11, 12, 13, 14, 15, 16, 17, 18, 1, 2, 3, 3, 3, 3, 3, 3, 3, 3, 3, 3, 3, 3, 3, 3, 3, 4, 5, 6, 7, 8, 9, 10, 11, 12, 13, 14, 15], dtype=np.int32) - 1
_ROW = np.array([0, 1, 1, 2, 2, 2, 2, 2, 2, 2, 2, 3, 3, 3, 3, 3, 3, 3, 3, 4, 4, 4, 4, 4, 4, 4, 4, 4, 4, 4, 4, 4, 4, 4, 4, 4, 4, 5, 5, 5, 5, 5, 5, 5, 5, 5, 5, 5, 5, 5, 5, 5, 5, 5, 5, 6, 6, 6, 6, 6, 6, 6, 6, 6, 6, 6, 6, 6, 6, 6, 6, 6, 6, 6, 6, 6, 6, 6, 6, 6, 6, 6, 6, 6, 6], dtype=np.int32) - 1


def setup_inputs(seed: int = 0) -> dict:
    key = jax.random.key(seed)
    # atomic numbers of real elements: 1 (H) .. 83 (Bi)
    atomic_number = jax.random.randint(key, (100000,), 1, 84, dtype=jnp.int32)
    group_mapping = jnp.asarray(_GROUP)
    row_mapping = jnp.asarray(_ROW)
    return {"atomic_number": atomic_number, "group_mapping": group_mapping, "row_mapping": row_mapping}


def reference(atomic_number, group_mapping, row_mapping):
    groups = jnp.take(group_mapping, atomic_number, axis=0)
    rows = jnp.take(row_mapping, atomic_number, axis=0)
    one_hot_groups = jax.nn.one_hot(groups, 18, dtype=jnp.float32)
    one_hot_rows = jax.nn.one_hot(rows, 6, dtype=jnp.float32)
    embedding = jnp.concatenate([one_hot_groups, one_hot_rows], axis=1)
    return embedding

if __name__ == "__main__":
    import jax
    _d = setup_inputs()
    print(jax.jit(kernel)(*tuple(_d.values())))

</pallas_src>

<mosaic_0001>
#map = affine_map<(d0, d1) -> (0)>
#map1 = affine_map<(d0, d1) -> (0, 0)>
module attributes {stable_mosaic.version = 14 : i64} {
  func.func @_scatter_onehot(%arg0: i32, %arg1: i32, %arg2: memref<100000xi32, #tpu.memory_space<hbm>>, %arg3: memref<84xi32, #tpu.memory_space<hbm>>, %arg4: memref<84xi32, #tpu.memory_space<hbm>>, %arg5: memref<24x100000xf32, #tpu.memory_space<hbm>>, %arg6: memref<1024xi32, #tpu.memory_space<vmem>>, %arg7: memref<1024xi32, #tpu.memory_space<vmem>>, %arg8: memref<1024xi32, #tpu.memory_space<vmem>>, %arg9: memref<1024xi32, #tpu.memory_space<vmem>>, %arg10: memref<192xi32, #tpu.memory_space<vmem>>, %arg11: memref<24x1024xf32, #tpu.memory_space<vmem>>, %arg12: memref<24x1024xf32, #tpu.memory_space<vmem>>, %arg13: memref<24x1024xf32, #tpu.memory_space<vmem>>, %arg14: memref<24x1024xf32, #tpu.memory_space<vmem>>, %arg15: memref<!tpu.dma_semaphore, #tpu.memory_space<semaphore_mem>>, %arg16: memref<!tpu.dma_semaphore, #tpu.memory_space<semaphore_mem>>, %arg17: memref<!tpu.dma_semaphore, #tpu.memory_space<semaphore_mem>>, %arg18: memref<!tpu.dma_semaphore, #tpu.memory_space<semaphore_mem>>, %arg19: memref<!tpu.dma_semaphore, #tpu.memory_space<semaphore_mem>>) attributes {dimension_semantics = [#tpu.dimension_semantics<core_parallel>, #tpu.dimension_semantics<subcore_parallel>], iteration_bounds = array<i64: 2, 16>, scalar_prefetch = 0 : i64, scratch_operands = 14 : i64, tpu.core_type = #tpu.core_type<sc_vector_subcore>, window_params = [{transform_indices = #map}, {transform_indices = #map}, {transform_indices = #map}, {transform_indices = #map1}]} {
    %mul3A = arith.constant 2 : i32
    %mul3A_0 = arith.muli %arg1, %mul3A : i32
    %add3A = arith.addi %mul3A_0, %arg0 : i32
    %iota3A = tpu.iota {dimensions = array<i32: 0>} : vector<16xi32>
    %broadcast_in_dim3A = arith.constant 0.000000e+00 : f32
    %broadcast_in_dim3A_1 = vector.broadcast %broadcast_in_dim3A : f32 to vector<16xf32>
    %broadcast_in_dim3A_2 = arith.constant 1.000000e+00 : f32
    %broadcast_in_dim3A_3 = vector.broadcast %broadcast_in_dim3A_2 : f32 to vector<16xf32>
    %add3A_4 = arith.constant 0 : i32
    %add3A_5 = arith.addi %add3A, %add3A_4 : i32
    %mul3A_6 = arith.constant 1024 : i32
    %mul3A_7 = arith.muli %add3A_5, %mul3A_6 : i32
    %multiple_of3A = tpu.assume_multiple %mul3A_7, 128 : i32
    %add3A_8 = arith.constant 32 : i32
    %add3A_9 = arith.addi %add3A, %add3A_8 : i32
    %mul3A_10 = arith.constant 1024 : i32
    %mul3A_11 = arith.muli %add3A_9, %mul3A_10 : i32
    %multiple_of3A_12 = tpu.assume_multiple %mul3A_11, 128 : i32
    %add3A_13 = arith.constant 64 : i32
    %add3A_14 = arith.addi %add3A, %add3A_13 : i32
    %mul3A_15 = arith.constant 1024 : i32
    %mul3A_16 = arith.muli %add3A_14, %mul3A_15 : i32
    %multiple_of3A_17 = tpu.assume_multiple %mul3A_16, 128 : i32
    %dma_start3A = tpu.memref_slice %arg2[%multiple_of3A] : memref<100000xi32, #tpu.memory_space<hbm>> -> memref<1024xi32, #tpu.memory_space<hbm>>
    %dma_start3A_18 = tpu.memref_slice %arg2[%multiple_of3A] : memref<100000xi32, #tpu.memory_space<hbm>> -> memref<1024xi32, #tpu.memory_space<hbm>>
    tpu.enqueue_dma source(%dma_start3A_18 : memref<1024xi32, #tpu.memory_space<hbm>>) target(%arg6 : memref<1024xi32, #tpu.memory_space<vmem>>) target_semaphore(%arg15 : memref<!tpu.dma_semaphore, #tpu.memory_space<semaphore_mem>>)
    %dma_start3A_19 = tpu.memref_slice %arg2[%multiple_of3A_12] : memref<100000xi32, #tpu.memory_space<hbm>> -> memref<1024xi32, #tpu.memory_space<hbm>>
    %dma_start3A_20 = tpu.memref_slice %arg2[%multiple_of3A_12] : memref<100000xi32, #tpu.memory_space<hbm>> -> memref<1024xi32, #tpu.memory_space<hbm>>
    tpu.enqueue_dma source(%dma_start3A_20 : memref<1024xi32, #tpu.memory_space<hbm>>) target(%arg7 : memref<1024xi32, #tpu.memory_space<vmem>>) target_semaphore(%arg16 : memref<!tpu.dma_semaphore, #tpu.memory_space<semaphore_mem>>)
    %dma_start3A_21 = tpu.memref_slice %arg2[%multiple_of3A_17] : memref<100000xi32, #tpu.memory_space<hbm>> -> memref<1024xi32, #tpu.memory_space<hbm>>
    %dma_start3A_22 = tpu.memref_slice %arg2[%multiple_of3A_17] : memref<100000xi32, #tpu.memory_space<hbm>> -> memref<1024xi32, #tpu.memory_space<hbm>>
    tpu.enqueue_dma source(%dma_start3A_22 : memref<1024xi32, #tpu.memory_space<hbm>>) target(%arg8 : memref<1024xi32, #tpu.memory_space<vmem>>) target_semaphore(%arg17 : memref<!tpu.dma_semaphore, #tpu.memory_space<semaphore_mem>>)
    %eq3A = arith.constant 0 : i32
    %eq3A_23 = arith.cmpi eq, %add3A, %eq3A : i32
    %convert_element_type3A = arith.extui %eq3A_23 : i1 to i32
    %cond3A = arith.constant 0 : i32
    %cond3A_24 = arith.cmpi ne, %convert_element_type3A, %cond3A : i32
    scf.if %cond3A_24 {
      %dma_start3A_148 = arith.constant 98304 : i32
      %dma_start3A_149 = tpu.memref_slice %arg2[%dma_start3A_148] : memref<100000xi32, #tpu.memory_space<hbm>> -> memref<1024xi32, #tpu.memory_space<hbm>>
      %dma_start3A_150 = arith.constant 98304 : i32
      %dma_start3A_151 = tpu.memref_slice %arg2[%dma_start3A_150] : memref<100000xi32, #tpu.memory_space<hbm>> -> memref<1024xi32, #tpu.memory_space<hbm>>
      tpu.enqueue_dma source(%dma_start3A_151 : memref<1024xi32, #tpu.memory_space<hbm>>) target(%arg9 : memref<1024xi32, #tpu.memory_space<vmem>>) target_semaphore(%arg18 : memref<!tpu.dma_semaphore, #tpu.memory_space<semaphore_mem>>)
    } else {
    }
    %eq3A_25 = arith.constant 1 : i32
    %eq3A_26 = arith.cmpi eq, %add3A, %eq3A_25 : i32
    %convert_element_type3A_27 = arith.extui %eq3A_26 : i1 to i32
    %cond3A_28 = arith.constant 0 : i32
    %cond3A_29 = arith.cmpi ne, %convert_element_type3A_27, %cond3A_28 : i32
    scf.if %cond3A_29 {
      %dma_start3A_148 = arith.constant 0 : i32
      %dma_start3A_149 = tpu.memref_slice %arg9[%dma_start3A_148] : memref<1024xi32, #tpu.memory_space<vmem>> -> memref<672xi32, #tpu.memory_space<vmem>>
      %dma_start3A_150 = arith.constant 99328 : i32
      %dma_start3A_151 = tpu.memref_slice %arg2[%dma_start3A_150] : memref<100000xi32, #tpu.memory_space<hbm>> -> memref<672xi32, #tpu.memory_space<hbm>>
      %dma_start3A_152 = arith.constant 0 : i32
      %dma_start3A_153 = tpu.memref_slice %arg9[%dma_start3A_152] : memref<1024xi32, #tpu.memory_space<vmem>> -> memref<672xi32, #tpu.memory_space<vmem>>
      %dma_start3A_154 = arith.constant 99328 : i32
      %dma_start3A_155 = tpu.memref_slice %arg2[%dma_start3A_154] : memref<100000xi32, #tpu.memory_space<hbm>> -> memref<672xi32, #tpu.memory_space<hbm>>
      tpu.enqueue_dma source(%dma_start3A_155 : memref<672xi32, #tpu.memory_space<hbm>>) target(%dma_start3A_153 : memref<672xi32, #tpu.memory_space<vmem>>) target_semaphore(%arg18 : memref<!tpu.dma_semaphore, #tpu.memory_space<semaphore_mem>>)
    } else {
    }
    "tpu.region"() ({
      %run_scoped3A = tpu.sem_alloc : memref<!tpu.dma_semaphore, #tpu.memory_space<semaphore_mem>>
      %dma_start3A_148 = arith.constant 0 : i32
      %dma_start3A_149 = tpu.memref_slice %arg10[%dma_start3A_148] : memref<192xi32, #tpu.memory_space<vmem>> -> memref<84xi32, #tpu.memory_space<vmem>>
      %dma_start3A_150 = arith.constant 0 : i32
      %dma_start3A_151 = tpu.memref_slice %arg10[%dma_start3A_150] : memref<192xi32, #tpu.memory_space<vmem>> -> memref<84xi32, #tpu.memory_space<vmem>>
      tpu.enqueue_dma source(%arg3 : memref<84xi32, #tpu.memory_space<hbm>>) target(%dma_start3A_151 : memref<84xi32, #tpu.memory_space<vmem>>) target_semaphore(%run_scoped3A : memref<!tpu.dma_semaphore, #tpu.memory_space<semaphore_mem>>)
      %dma_wait3A_152 = arith.constant 0 : i32
      %dma_wait3A_153 = tpu.memref_slice %arg10[%dma_wait3A_152] : memref<192xi32, #tpu.memory_space<vmem>> -> memref<84xi32, #tpu.memory_space<vmem>>
      %dma_wait3A_154 = arith.constant 0 : i32
      %dma_wait3A_155 = tpu.memref_slice %arg10[%dma_wait3A_154] : memref<192xi32, #tpu.memory_space<vmem>> -> memref<84xi32, #tpu.memory_space<vmem>>
      tpu.wait_dma2 semaphore(%run_scoped3A : memref<!tpu.dma_semaphore, #tpu.memory_space<semaphore_mem>>) src(%arg3 : memref<84xi32, #tpu.memory_space<hbm>>) dst(%dma_wait3A_155 : memref<84xi32, #tpu.memory_space<vmem>>)
      tpu.yield
    }) : () -> ()
    "tpu.region"() ({
      %run_scoped3A = tpu.sem_alloc : memref<!tpu.dma_semaphore, #tpu.memory_space<semaphore_mem>>
      %dma_start3A_148 = arith.constant 96 : i32
      %dma_start3A_149 = tpu.memref_slice %arg10[%dma_start3A_148] : memref<192xi32, #tpu.memory_space<vmem>> -> memref<84xi32, #tpu.memory_space<vmem>>
      %dma_start3A_150 = arith.constant 96 : i32
      %dma_start3A_151 = tpu.memref_slice %arg10[%dma_start3A_150] : memref<192xi32, #tpu.memory_space<vmem>> -> memref<84xi32, #tpu.memory_space<vmem>>
      tpu.enqueue_dma source(%arg4 : memref<84xi32, #tpu.memory_space<hbm>>) target(%dma_start3A_151 : memref<84xi32, #tpu.memory_space<vmem>>) target_semaphore(%run_scoped3A : memref<!tpu.dma_semaphore, #tpu.memory_space<semaphore_mem>>)
      %dma_wait3A_152 = arith.constant 96 : i32
      %dma_wait3A_153 = tpu.memref_slice %arg10[%dma_wait3A_152] : memref<192xi32, #tpu.memory_space<vmem>> -> memref<84xi32, #tpu.memory_space<vmem>>
      %dma_wait3A_154 = arith.constant 96 : i32
      %dma_wait3A_155 = tpu.memref_slice %arg10[%dma_wait3A_154] : memref<192xi32, #tpu.memory_space<vmem>> -> memref<84xi32, #tpu.memory_space<vmem>>
      tpu.wait_dma2 semaphore(%run_scoped3A : memref<!tpu.dma_semaphore, #tpu.memory_space<semaphore_mem>>) src(%arg4 : memref<84xi32, #tpu.memory_space<hbm>>) dst(%dma_wait3A_155 : memref<84xi32, #tpu.memory_space<vmem>>)
      tpu.yield
    }) : () -> ()
    %multiple_of3A_30 = arith.constant 96 : i32
    %multiple_of3A_31 = tpu.assume_multiple %multiple_of3A_30, 16 : i32
    %get3A = arith.index_cast %multiple_of3A_31 : i32 to index
    %get3A_32 = tpu.vector_load %arg10[%get3A] {strides = array<i32>} : memref<192xi32, #tpu.memory_space<vmem>>, vector<16xi32>,
    %add3A_33 = arith.constant 18 : i32
    %add3A_34 = vector.broadcast %add3A_33 : i32 to vector<16xi32>
    %add3A_35 = arith.addi %get3A_32, %add3A_34 : vector<16xi32>
    %swap3A = arith.index_cast %multiple_of3A_31 : i32 to index
    %swap3A_36 = tpu.vector_load %arg10[%swap3A] {strides = array<i32>} : memref<192xi32, #tpu.memory_space<vmem>>, vector<16xi32>,
    tpu.vector_store %arg10[%swap3A], %add3A_35 {strides = array<i32>} : memref<192xi32, #tpu.memory_space<vmem>>, vector<16xi32>,
    %multiple_of3A_37 = arith.constant 112 : i32
    %multiple_of3A_38 = tpu.assume_multiple %multiple_of3A_37, 16 : i32
    %get3A_39 = arith.index_cast %multiple_of3A_38 : i32 to index
    %get3A_40 = tpu.vector_load %arg10[%get3A_39] {strides = array<i32>} : memref<192xi32, #tpu.memory_space<vmem>>, vector<16xi32>,
    %add3A_41 = arith.constant 18 : i32
    %add3A_42 = vector.broadcast %add3A_41 : i32 to vector<16xi32>
    %add3A_43 = arith.addi %get3A_40, %add3A_42 : vector<16xi32>
    %swap3A_44 = arith.index_cast %multiple_of3A_38 : i32 to index
    %swap3A_45 = tpu.vector_load %arg10[%swap3A_44] {strides = array<i32>} : memref<192xi32, #tpu.memory_space<vmem>>, vector<16xi32>,
    tpu.vector_store %arg10[%swap3A_44], %add3A_43 {strides = array<i32>} : memref<192xi32, #tpu.memory_space<vmem>>, vector<16xi32>,
    %multiple_of3A_46 = arith.constant 128 : i32
    %multiple_of3A_47 = tpu.assume_multiple %multiple_of3A_46, 16 : i32
    %get3A_48 = arith.index_cast %multiple_of3A_47 : i32 to index
    %get3A_49 = tpu.vector_load %arg10[%get3A_48] {strides = array<i32>} : memref<192xi32, #tpu.memory_space<vmem>>, vector<16xi32>,
    %add3A_50 = arith.constant 18 : i32
    %add3A_51 = vector.broadcast %add3A_50 : i32 to vector<16xi32>
    %add3A_52 = arith.addi %get3A_49, %add3A_51 : vector<16xi32>
    %swap3A_53 = arith.index_cast %multiple_of3A_47 : i32 to index
    %swap3A_54 = tpu.vector_load %arg10[%swap3A_53] {strides = array<i32>} : memref<192xi32, #tpu.memory_space<vmem>>, vector<16xi32>,
    tpu.vector_store %arg10[%swap3A_53], %add3A_52 {strides = array<i32>} : memref<192xi32, #tpu.memory_space<vmem>>, vector<16xi32>,
    %multiple_of3A_55 = arith.constant 144 : i32
    %multiple_of3A_56 = tpu.assume_multiple %multiple_of3A_55, 16 : i32
    %get3A_57 = arith.index_cast %multiple_of3A_56 : i32 to index
    %get3A_58 = tpu.vector_load %arg10[%get3A_57] {strides = array<i32>} : memref<192xi32, #tpu.memory_space<vmem>>, vector<16xi32>,
    %add3A_59 = arith.constant 18 : i32
    %add3A_60 = vector.broadcast %add3A_59 : i32 to vector<16xi32>
    %add3A_61 = arith.addi %get3A_58, %add3A_60 : vector<16xi32>
    %swap3A_62 = arith.index_cast %multiple_of3A_56 : i32 to index
    %swap3A_63 = tpu.vector_load %arg10[%swap3A_62] {strides = array<i32>} : memref<192xi32, #tpu.memory_space<vmem>>, vector<16xi32>,
    tpu.vector_store %arg10[%swap3A_62], %add3A_61 {strides = array<i32>} : memref<192xi32, #tpu.memory_space<vmem>>, vector<16xi32>,
    %multiple_of3A_64 = arith.constant 160 : i32
    %multiple_of3A_65 = tpu.assume_multiple %multiple_of3A_64, 16 : i32
    %get3A_66 = arith.index_cast %multiple_of3A_65 : i32 to index
    %get3A_67 = tpu.vector_load %arg10[%get3A_66] {strides = array<i32>} : memref<192xi32, #tpu.memory_space<vmem>>, vector<16xi32>,
    %add3A_68 = arith.constant 18 : i32
    %add3A_69 = vector.broadcast %add3A_68 : i32 to vector<16xi32>
    %add3A_70 = arith.addi %get3A_67, %add3A_69 : vector<16xi32>
    %swap3A_71 = arith.index_cast %multiple_of3A_65 : i32 to index
    %swap3A_72 = tpu.vector_load %arg10[%swap3A_71] {strides = array<i32>} : memref<192xi32, #tpu.memory_space<vmem>>, vector<16xi32>,
    tpu.vector_store %arg10[%swap3A_71], %add3A_70 {strides = array<i32>} : memref<192xi32, #tpu.memory_space<vmem>>, vector<16xi32>,
    %multiple_of3A_73 = arith.constant 176 : i32
    %multiple_of3A_74 = tpu.assume_multiple %multiple_of3A_73, 16 : i32
    %get3A_75 = arith.index_cast %multiple_of3A_74 : i32 to index
    %get3A_76 = tpu.vector_load %arg10[%get3A_75] {strides = array<i32>} : memref<192xi32, #tpu.memory_space<vmem>>, vector<16xi32>,
    %add3A_77 = arith.constant 18 : i32
    %add3A_78 = vector.broadcast %add3A_77 : i32 to vector<16xi32>
    %add3A_79 = arith.addi %get3A_76, %add3A_78 : vector<16xi32>
    %swap3A_80 = arith.index_cast %multiple_of3A_74 : i32 to index
    %swap3A_81 = tpu.vector_load %arg10[%swap3A_80] {strides = array<i32>} : memref<192xi32, #tpu.memory_space<vmem>>, vector<16xi32>,
    tpu.vector_store %arg10[%swap3A_80], %add3A_79 {strides = array<i32>} : memref<192xi32, #tpu.memory_space<vmem>>, vector<16xi32>,
    %dma_wait3A = tpu.memref_slice %arg2[%multiple_of3A] : memref<100000xi32, #tpu.memory_space<hbm>> -> memref<1024xi32, #tpu.memory_space<hbm>>
    %dma_wait3A_82 = tpu.memref_slice %arg2[%multiple_of3A] : memref<100000xi32, #tpu.memory_space<hbm>> -> memref<1024xi32, #tpu.memory_space<hbm>>
    tpu.wait_dma2 semaphore(%arg15 : memref<!tpu.dma_semaphore, #tpu.memory_space<semaphore_mem>>) src(%dma_wait3A_82 : memref<1024xi32, #tpu.memory_space<hbm>>) dst(%arg6 : memref<1024xi32, #tpu.memory_space<vmem>>)
    %scan3A = arith.constant 0 : i32
    %scan3A_83 = arith.constant 0 : i32
    %scan3A_84 = arith.constant 64 : i32
    %scan3A_85 = arith.addi %scan3A_83, %scan3A_84 : i32
    %scan3A_86 = arith.constant 1 : i32
    scf.for %scan3A_148 = %scan3A_83 to %scan3A_85 step %scan3A_86  : i32 {
      %mul3A_149 = arith.constant 16 : i32
      %mul3A_150 = arith.muli %scan3A_148, %mul3A_149 : i32
      %multiple_of3A_151 = tpu.assume_multiple %mul3A_150, 16 : i32
      %swap3A_152 = arith.constant 0 : i32
      %swap3A_153 = arith.index_cast %swap3A_152 : i32 to index
      %swap3A_154 = arith.index_cast %multiple_of3A_151 : i32 to index
      %swap3A_155 = tpu.vector_load %arg11[%swap3A_153, %swap3A_154] {strides = array<i32>} : memref<24x1024xf32, #tpu.memory_space<vmem>>, vector<16xf32>,
      tpu.vector_store %arg11[%swap3A_153, %swap3A_154], %broadcast_in_dim3A_1 {strides = array<i32>} : memref<24x1024xf32, #tpu.memory_space<vmem>>, vector<16xf32>,
      %swap3A_156 = arith.constant 1 : i32
      %swap3A_157 = arith.index_cast %swap3A_156 : i32 to index
      %swap3A_158 = arith.index_cast %multiple_of3A_151 : i32 to index
      %swap3A_159 = tpu.vector_load %arg11[%swap3A_157, %swap3A_158] {strides = array<i32>} : memref<24x1024xf32, #tpu.memory_space<vmem>>, vector<16xf32>,
      tpu.vector_store %arg11[%swap3A_157, %swap3A_158], %broadcast_in_dim3A_1 {strides = array<i32>} : memref<24x1024xf32, #tpu.memory_space<vmem>>, vector<16xf32>,
      %swap3A_160 = arith.constant 2 : i32
      %swap3A_161 = arith.index_cast %swap3A_160 : i32 to index
      %swap3A_162 = arith.index_cast %multiple_of3A_151 : i32 to index
      %swap3A_163 = tpu.vector_load %arg11[%swap3A_161, %swap3A_162] {strides = array<i32>} : memref<24x1024xf32, #tpu.memory_space<vmem>>, vector<16xf32>,
      tpu.vector_store %arg11[%swap3A_161, %swap3A_162], %broadcast_in_dim3A_1 {strides = array<i32>} : memref<24x1024xf32, #tpu.memory_space<vmem>>, vector<16xf32>,
      %swap3A_164 = arith.constant 3 : i32
      %swap3A_165 = arith.index_cast %swap3A_164 : i32 to index
      %swap3A_166 = arith.index_cast %multiple_of3A_151 : i32 to index
      %swap3A_167 = tpu.vector_load %arg11[%swap3A_165, %swap3A_166] {strides = array<i32>} : memref<24x1024xf32, #tpu.memory_space<vmem>>, vector<16xf32>,
      tpu.vector_store %arg11[%swap3A_165, %swap3A_166], %broadcast_in_dim3A_1 {strides = array<i32>} : memref<24x1024xf32, #tpu.memory_space<vmem>>, vector<16xf32>,
      %swap3A_168 = arith.constant 4 : i32
      %swap3A_169 = arith.index_cast %swap3A_168 : i32 to index
      %swap3A_170 = arith.index_cast %multiple_of3A_151 : i32 to index
      %swap3A_171 = tpu.vector_load %arg11[%swap3A_169, %swap3A_170] {strides = array<i32>} : memref<24x1024xf32, #tpu.memory_space<vmem>>, vector<16xf32>,
      tpu.vector_store %arg11[%swap3A_169, %swap3A_170], %broadcast_in_dim3A_1 {strides = array<i32>} : memref<24x1024xf32, #tpu.memory_space<vmem>>, vector<16xf32>,
      %swap3A_172 = arith.constant 5 : i32
      %swap3A_173 = arith.index_cast %swap3A_172 : i32 to index
      %swap3A_174 = arith.index_cast %multiple_of3A_151 : i32 to index
      %swap3A_175 = tpu.vector_load %arg11[%swap3A_173, %swap3A_174] {strides = array<i32>} : memref<24x1024xf32, #tpu.memory_space<vmem>>, vector<16xf32>,
      tpu.vector_store %arg11[%swap3A_173, %swap3A_174], %broadcast_in_dim3A_1 {strides = array<i32>} : memref<24x1024xf32, #tpu.memory_space<vmem>>, vector<16xf32>,
      %swap3A_176 = arith.constant 6 : i32
      %swap3A_177 = arith.index_cast %swap3A_176 : i32 to index
      %swap3A_178 = arith.index_cast %multiple_of3A_151 : i32 to index
      %swap3A_179 = tpu.vector_load %arg11[%swap3A_177, %swap3A_178] {strides = array<i32>} : memref<24x1024xf32, #tpu.memory_space<vmem>>, vector<16xf32>,
      tpu.vector_store %arg11[%swap3A_177, %swap3A_178], %broadcast_in_dim3A_1 {strides = array<i32>} : memref<24x1024xf32, #tpu.memory_space<vmem>>, vector<16xf32>,
      %swap3A_180 = arith.constant 7 : i32
      %swap3A_181 = arith.index_cast %swap3A_180 : i32 to index
      %swap3A_182 = arith.index_cast %multiple_of3A_151 : i32 to index
      %swap3A_183 = tpu.vector_load %arg11[%swap3A_181, %swap3A_182] {strides = array<i32>} : memref<24x1024xf32, #tpu.memory_space<vmem>>, vector<16xf32>,
      tpu.vector_store %arg11[%swap3A_181, %swap3A_182], %broadcast_in_dim3A_1 {strides = array<i32>} : memref<24x1024xf32, #tpu.memory_space<vmem>>, vector<16xf32>,
      %swap3A_184 = arith.constant 8 : i32
      %swap3A_185 = arith.index_cast %swap3A_184 : i32 to index
      %swap3A_186 = arith.index_cast %multiple_of3A_151 : i32 to index
      %swap3A_187 = tpu.vector_load %arg11[%swap3A_185, %swap3A_186] {strides = array<i32>} : memref<24x1024xf32, #tpu.memory_space<vmem>>, vector<16xf32>,
      tpu.vector_store %arg11[%swap3A_185, %swap3A_186], %broadcast_in_dim3A_1 {strides = array<i32>} : memref<24x1024xf32, #tpu.memory_space<vmem>>, vector<16xf32>,
      %swap3A_188 = arith.constant 9 : i32
      %swap3A_189 = arith.index_cast %swap3A_188 : i32 to index
      %swap3A_190 = arith.index_cast %multiple_of3A_151 : i32 to index
      %swap3A_191 = tpu.vector_load %arg11[%swap3A_189, %swap3A_190] {strides = array<i32>} : memref<24x1024xf32, #tpu.memory_space<vmem>>, vector<16xf32>,
      tpu.vector_store %arg11[%swap3A_189, %swap3A_190], %broadcast_in_dim3A_1 {strides = array<i32>} : memref<24x1024xf32, #tpu.memory_space<vmem>>, vector<16xf32>,
      %swap3A_192 = arith.constant 10 : i32
      %swap3A_193 = arith.index_cast %swap3A_192 : i32 to index
      %swap3A_194 = arith.index_cast %multiple_of3A_151 : i32 to index
      %swap3A_195 = tpu.vector_load %arg11[%swap3A_193, %swap3A_194] {strides = array<i32>} : memref<24x1024xf32, #tpu.memory_space<vmem>>, vector<16xf32>,
      tpu.vector_store %arg11[%swap3A_193, %swap3A_194], %broadcast_in_dim3A_1 {strides = array<i32>} : memref<24x1024xf32, #tpu.memory_space<vmem>>, vector<16xf32>,
      %swap3A_196 = arith.constant 11 : i32
      %swap3A_197 = arith.index_cast %swap3A_196 : i32 to index
      %swap3A_198 = arith.index_cast %multiple_of3A_151 : i32 to index
      %swap3A_199 = tpu.vector_load %arg11[%swap3A_197, %swap3A_198] {strides = array<i32>} : memref<24x1024xf32, #tpu.memory_space<vmem>>, vector<16xf32>,
      tpu.vector_store %arg11[%swap3A_197, %swap3A_198], %broadcast_in_dim3A_1 {strides = array<i32>} : memref<24x1024xf32, #tpu.memory_space<vmem>>, vector<16xf32>,
      %swap3A_200 = arith.constant 12 : i32
      %swap3A_201 = arith.index_cast %swap3A_200 : i32 to index
      %swap3A_202 = arith.index_cast %multiple_of3A_151 : i32 to index
      %swap3A_203 = tpu.vector_load %arg11[%swap3A_201, %swap3A_202] {strides = array<i32>} : memref<24x1024xf32, #tpu.memory_space<vmem>>, vector<16xf32>,
      tpu.vector_store %arg11[%swap3A_201, %swap3A_202], %broadcast_in_dim3A_1 {strides = array<i32>} : memref<24x1024xf32, #tpu.memory_space<vmem>>, vector<16xf32>,
      %swap3A_204 = arith.constant 13 : i32
      %swap3A_205 = arith.index_cast %swap3A_204 : i32 to index
      %swap3A_206 = arith.index_cast %multiple_of3A_151 : i32 to index
      %swap3A_207 = tpu.vector_load %arg11[%swap3A_205, %swap3A_206] {strides = array<i32>} : memref<24x1024xf32, #tpu.memory_space<vmem>>, vector<16xf32>,
      tpu.vector_store %arg11[%swap3A_205, %swap3A_206], %broadcast_in_dim3A_1 {strides = array<i32>} : memref<24x1024xf32, #tpu.memory_space<vmem>>, vector<16xf32>,
      %swap3A_208 = arith.constant 14 : i32
      %swap3A_209 = arith.index_cast %swap3A_208 : i32 to index
      %swap3A_210 = arith.index_cast %multiple_of3A_151 : i32 to index
      %swap3A_211 = tpu.vector_load %arg11[%swap3A_209, %swap3A_210] {strides = array<i32>} : memref<24x1024xf32, #tpu.memory_space<vmem>>, vector<16xf32>,
      tpu.vector_store %arg11[%swap3A_209, %swap3A_210], %broadcast_in_dim3A_1 {strides = array<i32>} : memref<24x1024xf32, #tpu.memory_space<vmem>>, vector<16xf32>,
      %swap3A_212 = arith.constant 15 : i32
      %swap3A_213 = arith.index_cast %swap3A_212 : i32 to index
      %swap3A_214 = arith.index_cast %multiple_of3A_151 : i32 to index
      %swap3A_215 = tpu.vector_load %arg11[%swap3A_213, %swap3A_214] {strides = array<i32>} : memref<24x1024xf32, #tpu.memory_space<vmem>>, vector<16xf32>,
      tpu.vector_store %arg11[%swap3A_213, %swap3A_214], %broadcast_in_dim3A_1 {strides = array<i32>} : memref<24x1024xf32, #tpu.memory_space<vmem>>, vector<16xf32>,
      %swap3A_216 = arith.constant 16 : i32
      %swap3A_217 = arith.index_cast %swap3A_216 : i32 to index
      %swap3A_218 = arith.index_cast %multiple_of3A_151 : i32 to index
      %swap3A_219 = tpu.vector_load %arg11[%swap3A_217, %swap3A_218] {strides = array<i32>} : memref<24x1024xf32, #tpu.memory_space<vmem>>, vector<16xf32>,
      tpu.vector_store %arg11[%swap3A_217, %swap3A_218], %broadcast_in_dim3A_1 {strides = array<i32>} : memref<24x1024xf32, #tpu.memory_space<vmem>>, vector<16xf32>,
      %swap3A_220 = arith.constant 17 : i32
      %swap3A_221 = arith.index_cast %swap3A_220 : i32 to index
      %swap3A_222 = arith.index_cast %multiple_of3A_151 : i32 to index
      %swap3A_223 = tpu.vector_load %arg11[%swap3A_221, %swap3A_222] {strides = array<i32>} : memref<24x1024xf32, #tpu.memory_space<vmem>>, vector<16xf32>,
      tpu.vector_store %arg11[%swap3A_221, %swap3A_222], %broadcast_in_dim3A_1 {strides = array<i32>} : memref<24x1024xf32, #tpu.memory_space<vmem>>, vector<16xf32>,
      %swap3A_224 = arith.constant 18 : i32
      %swap3A_225 = arith.index_cast %swap3A_224 : i32 to index
      %swap3A_226 = arith.index_cast %multiple_of3A_151 : i32 to index
      %swap3A_227 = tpu.vector_load %arg11[%swap3A_225, %swap3A_226] {strides = array<i32>} : memref<24x1024xf32, #tpu.memory_space<vmem>>, vector<16xf32>,
      tpu.vector_store %arg11[%swap3A_225, %swap3A_226], %broadcast_in_dim3A_1 {strides = array<i32>} : memref<24x1024xf32, #tpu.memory_space<vmem>>, vector<16xf32>,
      %swap3A_228 = arith.constant 19 : i32
      %swap3A_229 = arith.index_cast %swap3A_228 : i32 to index
      %swap3A_230 = arith.index_cast %multiple_of3A_151 : i32 to index
      %swap3A_231 = tpu.vector_load %arg11[%swap3A_229, %swap3A_230] {strides = array<i32>} : memref<24x1024xf32, #tpu.memory_space<vmem>>, vector<16xf32>,
      tpu.vector_store %arg11[%swap3A_229, %swap3A_230], %broadcast_in_dim3A_1 {strides = array<i32>} : memref<24x1024xf32, #tpu.memory_space<vmem>>, vector<16xf32>,
      %swap3A_232 = arith.constant 20 : i32
      %swap3A_233 = arith.index_cast %swap3A_232 : i32 to index
      %swap3A_234 = arith.index_cast %multiple_of3A_151 : i32 to index
      %swap3A_235 = tpu.vector_load %arg11[%swap3A_233, %swap3A_234] {strides = array<i32>} : memref<24x1024xf32, #tpu.memory_space<vmem>>, vector<16xf32>,
      tpu.vector_store %arg11[%swap3A_233, %swap3A_234], %broadcast_in_dim3A_1 {strides = array<i32>} : memref<24x1024xf32, #tpu.memory_space<vmem>>, vector<16xf32>,
      %swap3A_236 = arith.constant 21 : i32
      %swap3A_237 = arith.index_cast %swap3A_236 : i32 to index
      %swap3A_238 = arith.index_cast %multiple_of3A_151 : i32 to index
      %swap3A_239 = tpu.vector_load %arg11[%swap3A_237, %swap3A_238] {strides = array<i32>} : memref<24x1024xf32, #tpu.memory_space<vmem>>, vector<16xf32>,
      tpu.vector_store %arg11[%swap3A_237, %swap3A_238], %broadcast_in_dim3A_1 {strides = array<i32>} : memref<24x1024xf32, #tpu.memory_space<vmem>>, vector<16xf32>,
      %swap3A_240 = arith.constant 22 : i32
      %swap3A_241 = arith.index_cast %swap3A_240 : i32 to index
      %swap3A_242 = arith.index_cast %multiple_of3A_151 : i32 to index
      %swap3A_243 = tpu.vector_load %arg11[%swap3A_241, %swap3A_242] {strides = array<i32>} : memref<24x1024xf32, #tpu.memory_space<vmem>>, vector<16xf32>,
      tpu.vector_store %arg11[%swap3A_241, %swap3A_242], %broadcast_in_dim3A_1 {strides = array<i32>} : memref<24x1024xf32, #tpu.memory_space<vmem>>, vector<16xf32>,
      %swap3A_244 = arith.constant 23 : i32
      %swap3A_245 = arith.index_cast %swap3A_244 : i32 to index
      %swap3A_246 = arith.index_cast %multiple_of3A_151 : i32 to index
      %swap3A_247 = tpu.vector_load %arg11[%swap3A_245, %swap3A_246] {strides = array<i32>} : memref<24x1024xf32, #tpu.memory_space<vmem>>, vector<16xf32>,
      tpu.vector_store %arg11[%swap3A_245, %swap3A_246], %broadcast_in_dim3A_1 {strides = array<i32>} : memref<24x1024xf32, #tpu.memory_space<vmem>>, vector<16xf32>,
      %get3A_248 = arith.index_cast %multiple_of3A_151 : i32 to index
      %get3A_249 = tpu.vector_load %arg6[%get3A_248] {strides = array<i32>} : memref<1024xi32, #tpu.memory_space<vmem>>, vector<16xi32>,
      %gather3A = tpu.vector_load_idx %arg10[%get3A_249] : memref<192xi32, #tpu.memory_space<vmem>>[vector<16xi32>], vector<16xi32>,
      %add3A_250 = arith.constant 96 : i32
      %add3A_251 = vector.broadcast %add3A_250 : i32 to vector<16xi32>
      %add3A_252 = arith.addi %get3A_249, %add3A_251 : vector<16xi32>
      %gather3A_253 = tpu.vector_load_idx %arg10[%add3A_252] : memref<192xi32, #tpu.memory_space<vmem>>[vector<16xi32>], vector<16xi32>,
      %add3A_254 = vector.broadcast %multiple_of3A_151 : i32 to vector<16xi32>
      %add3A_255 = arith.addi %add3A_254, %iota3A : vector<16xi32>
      tpu.vector_store_idx %arg11[%gather3A, %add3A_255], %broadcast_in_dim3A_3 : memref<24x1024xf32, #tpu.memory_space<vmem>>[vector<16xi32>, vector<16xi32>], vector<16xf32>,
      tpu.vector_store_idx %arg11[%gather3A_253, %add3A_255], %broadcast_in_dim3A_3 : memref<24x1024xf32, #tpu.memory_space<vmem>>[vector<16xi32>, vector<16xi32>], vector<16xf32>,
    }
    %scan3A_87 = arith.constant 64 : i32
    %dma_start3A_88 = arith.constant 0 : i32
    %dma_start3A_89 = tpu.memref_slice %arg5[%dma_start3A_88, %multiple_of3A] : memref<24x100000xf32, #tpu.memory_space<hbm>> -> memref<24x1024xf32, #tpu.memory_space<hbm>>
    %dma_start3A_90 = arith.constant 0 : i32
    %dma_start3A_91 = tpu.memref_slice %arg5[%dma_start3A_90, %multiple_of3A] : memref<24x100000xf32, #tpu.memory_space<hbm>> -> memref<24x1024xf32, #tpu.memory_space<hbm>>
    tpu.enqueue_dma source(%arg11 : memref<24x1024xf32, #tpu.memory_space<vmem>>) target(%dma_start3A_91 : memref<24x1024xf32, #tpu.memory_space<hbm>>) target_semaphore(%arg19 : memref<!tpu.dma_semaphore, #tpu.memory_space<semaphore_mem>>)
    %dma_wait3A_92 = tpu.memref_slice %arg2[%multiple_of3A_12] : memref<100000xi32, #tpu.memory_space<hbm>> -> memref<1024xi32, #tpu.memory_space<hbm>>
    %dma_wait3A_93 = tpu.memref_slice %arg2[%multiple_of3A_12] : memref<100000xi32, #tpu.memory_space<hbm>> -> memref<1024xi32, #tpu.memory_space<hbm>>
    tpu.wait_dma2 semaphore(%arg16 : memref<!tpu.dma_semaphore, #tpu.memory_space<semaphore_mem>>) src(%dma_wait3A_93 : memref<1024xi32, #tpu.memory_space<hbm>>) dst(%arg7 : memref<1024xi32, #tpu.memory_space<vmem>>)
    %scan3A_94 = arith.constant 0 : i32
    %scan3A_95 = arith.constant 0 : i32
    %scan3A_96 = arith.constant 64 : i32
    %scan3A_97 = arith.addi %scan3A_95, %scan3A_96 : i32
    %scan3A_98 = arith.constant 1 : i32
    scf.for %scan3A_148 = %scan3A_95 to %scan3A_97 step %scan3A_98  : i32 {
      %mul3A_149 = arith.constant 16 : i32
      %mul3A_150 = arith.muli %scan3A_148, %mul3A_149 : i32
      %multiple_of3A_151 = tpu.assume_multiple %mul3A_150, 16 : i32
      %swap3A_152 = arith.constant 0 : i32
      %swap3A_153 = arith.index_cast %swap3A_152 : i32 to index
      %swap3A_154 = arith.index_cast %multiple_of3A_151 : i32 to index
      %swap3A_155 = tpu.vector_load %arg12[%swap3A_153, %swap3A_154] {strides = array<i32>} : memref<24x1024xf32, #tpu.memory_space<vmem>>, vector<16xf32>,
      tpu.vector_store %arg12[%swap3A_153, %swap3A_154], %broadcast_in_dim3A_1 {strides = array<i32>} : memref<24x1024xf32, #tpu.memory_space<vmem>>, vector<16xf32>,
      %swap3A_156 = arith.constant 1 : i32
      %swap3A_157 = arith.index_cast %swap3A_156 : i32 to index
      %swap3A_158 = arith.index_cast %multiple_of3A_151 : i32 to index
      %swap3A_159 = tpu.vector_load %arg12[%swap3A_157, %swap3A_158] {strides = array<i32>} : memref<24x1024xf32, #tpu.memory_space<vmem>>, vector<16xf32>,
      tpu.vector_store %arg12[%swap3A_157, %swap3A_158], %broadcast_in_dim3A_1 {strides = array<i32>} : memref<24x1024xf32, #tpu.memory_space<vmem>>, vector<16xf32>,
      %swap3A_160 = arith.constant 2 : i32
      %swap3A_161 = arith.index_cast %swap3A_160 : i32 to index
      %swap3A_162 = arith.index_cast %multiple_of3A_151 : i32 to index
      %swap3A_163 = tpu.vector_load %arg12[%swap3A_161, %swap3A_162] {strides = array<i32>} : memref<24x1024xf32, #tpu.memory_space<vmem>>, vector<16xf32>,
      tpu.vector_store %arg12[%swap3A_161, %swap3A_162], %broadcast_in_dim3A_1 {strides = array<i32>} : memref<24x1024xf32, #tpu.memory_space<vmem>>, vector<16xf32>,
      %swap3A_164 = arith.constant 3 : i32
      %swap3A_165 = arith.index_cast %swap3A_164 : i32 to index
      %swap3A_166 = arith.index_cast %multiple_of3A_151 : i32 to index
      %swap3A_167 = tpu.vector_load %arg12[%swap3A_165, %swap3A_166] {strides = array<i32>} : memref<24x1024xf32, #tpu.memory_space<vmem>>, vector<16xf32>,
      tpu.vector_store %arg12[%swap3A_165, %swap3A_166], %broadcast_in_dim3A_1 {strides = array<i32>} : memref<24x1024xf32, #tpu.memory_space<vmem>>, vector<16xf32>,
      %swap3A_168 = arith.constant 4 : i32
      %swap3A_169 = arith.index_cast %swap3A_168 : i32 to index
      %swap3A_170 = arith.index_cast %multiple_of3A_151 : i32 to index
      %swap3A_171 = tpu.vector_load %arg12[%swap3A_169, %swap3A_170] {strides = array<i32>} : memref<24x1024xf32, #tpu.memory_space<vmem>>, vector<16xf32>,
      tpu.vector_store %arg12[%swap3A_169, %swap3A_170], %broadcast_in_dim3A_1 {strides = array<i32>} : memref<24x1024xf32, #tpu.memory_space<vmem>>, vector<16xf32>,
      %swap3A_172 = arith.constant 5 : i32
      %swap3A_173 = arith.index_cast %swap3A_172 : i32 to index
      %swap3A_174 = arith.index_cast %multiple_of3A_151 : i32 to index
      %swap3A_175 = tpu.vector_load %arg12[%swap3A_173, %swap3A_174] {strides = array<i32>} : memref<24x1024xf32, #tpu.memory_space<vmem>>, vector<16xf32>,
      tpu.vector_store %arg12[%swap3A_173, %swap3A_174], %broadcast_in_dim3A_1 {strides = array<i32>} : memref<24x1024xf32, #tpu.memory_space<vmem>>, vector<16xf32>,
      %swap3A_176 = arith.constant 6 : i32
      %swap3A_177 = arith.index_cast %swap3A_176 : i32 to index
      %swap3A_178 = arith.index_cast %multiple_of3A_151 : i32 to index
      %swap3A_179 = tpu.vector_load %arg12[%swap3A_177, %swap3A_178] {strides = array<i32>} : memref<24x1024xf32, #tpu.memory_space<vmem>>, vector<16xf32>,
      tpu.vector_store %arg12[%swap3A_177, %swap3A_178], %broadcast_in_dim3A_1 {strides = array<i32>} : memref<24x1024xf32, #tpu.memory_space<vmem>>, vector<16xf32>,
      %swap3A_180 = arith.constant 7 : i32
      %swap3A_181 = arith.index_cast %swap3A_180 : i32 to index
      %swap3A_182 = arith.index_cast %multiple_of3A_151 : i32 to index
      %swap3A_183 = tpu.vector_load %arg12[%swap3A_181, %swap3A_182] {strides = array<i32>} : memref<24x1024xf32, #tpu.memory_space<vmem>>, vector<16xf32>,
      tpu.vector_store %arg12[%swap3A_181, %swap3A_182], %broadcast_in_dim3A_1 {strides = array<i32>} : memref<24x1024xf32, #tpu.memory_space<vmem>>, vector<16xf32>,
      %swap3A_184 = arith.constant 8 : i32
      %swap3A_185 = arith.index_cast %swap3A_184 : i32 to index
      %swap3A_186 = arith.index_cast %multiple_of3A_151 : i32 to index
      %swap3A_187 = tpu.vector_load %arg12[%swap3A_185, %swap3A_186] {strides = array<i32>} : memref<24x1024xf32, #tpu.memory_space<vmem>>, vector<16xf32>,
      tpu.vector_store %arg12[%swap3A_185, %swap3A_186], %broadcast_in_dim3A_1 {strides = array<i32>} : memref<24x1024xf32, #tpu.memory_space<vmem>>, vector<16xf32>,
      %swap3A_188 = arith.constant 9 : i32
      %swap3A_189 = arith.index_cast %swap3A_188 : i32 to index
      %swap3A_190 = arith.index_cast %multiple_of3A_151 : i32 to index
      %swap3A_191 = tpu.vector_load %arg12[%swap3A_189, %swap3A_190] {strides = array<i32>} : memref<24x1024xf32, #tpu.memory_space<vmem>>, vector<16xf32>,
      tpu.vector_store %arg12[%swap3A_189, %swap3A_190], %broadcast_in_dim3A_1 {strides = array<i32>} : memref<24x1024xf32, #tpu.memory_space<vmem>>, vector<16xf32>,
      %swap3A_192 = arith.constant 10 : i32
      %swap3A_193 = arith.index_cast %swap3A_192 : i32 to index
      %swap3A_194 = arith.index_cast %multiple_of3A_151 : i32 to index
      %swap3A_195 = tpu.vector_load %arg12[%swap3A_193, %swap3A_194] {strides = array<i32>} : memref<24x1024xf32, #tpu.memory_space<vmem>>, vector<16xf32>,
      tpu.vector_store %arg12[%swap3A_193, %swap3A_194], %broadcast_in_dim3A_1 {strides = array<i32>} : memref<24x1024xf32, #tpu.memory_space<vmem>>, vector<16xf32>,
      %swap3A_196 = arith.constant 11 : i32
      %swap3A_197 = arith.index_cast %swap3A_196 : i32 to index
      %swap3A_198 = arith.index_cast %multiple_of3A_151 : i32 to index
      %swap3A_199 = tpu.vector_load %arg12[%swap3A_197, %swap3A_198] {strides = array<i32>} : memref<24x1024xf32, #tpu.memory_space<vmem>>, vector<16xf32>,
      tpu.vector_store %arg12[%swap3A_197, %swap3A_198], %broadcast_in_dim3A_1 {strides = array<i32>} : memref<24x1024xf32, #tpu.memory_space<vmem>>, vector<16xf32>,
      %swap3A_200 = arith.constant 12 : i32
      %swap3A_201 = arith.index_cast %swap3A_200 : i32 to index
      %swap3A_202 = arith.index_cast %multiple_of3A_151 : i32 to index
      %swap3A_203 = tpu.vector_load %arg12[%swap3A_201, %swap3A_202] {strides = array<i32>} : memref<24x1024xf32, #tpu.memory_space<vmem>>, vector<16xf32>,
      tpu.vector_store %arg12[%swap3A_201, %swap3A_202], %broadcast_in_dim3A_1 {strides = array<i32>} : memref<24x1024xf32, #tpu.memory_space<vmem>>, vector<16xf32>,
      %swap3A_204 = arith.constant 13 : i32
      %swap3A_205 = arith.index_cast %swap3A_204 : i32 to index
      %swap3A_206 = arith.index_cast %multiple_of3A_151 : i32 to index
      %swap3A_207 = tpu.vector_load %arg12[%swap3A_205, %swap3A_206] {strides = array<i32>} : memref<24x1024xf32, #tpu.memory_space<vmem>>, vector<16xf32>,
      tpu.vector_store %arg12[%swap3A_205, %swap3A_206], %broadcast_in_dim3A_1 {strides = array<i32>} : memref<24x1024xf32, #tpu.memory_space<vmem>>, vector<16xf32>,
      %swap3A_208 = arith.constant 14 : i32
      %swap3A_209 = arith.index_cast %swap3A_208 : i32 to index
      %swap3A_210 = arith.index_cast %multiple_of3A_151 : i32 to index
      %swap3A_211 = tpu.vector_load %arg12[%swap3A_209, %swap3A_210] {strides = array<i32>} : memref<24x1024xf32, #tpu.memory_space<vmem>>, vector<16xf32>,
      tpu.vector_store %arg12[%swap3A_209, %swap3A_210], %broadcast_in_dim3A_1 {strides = array<i32>} : memref<24x1024xf32, #tpu.memory_space<vmem>>, vector<16xf32>,
      %swap3A_212 = arith.constant 15 : i32
      %swap3A_213 = arith.index_cast %swap3A_212 : i32 to index
      %swap3A_214 = arith.index_cast %multiple_of3A_151 : i32 to index
      %swap3A_215 = tpu.vector_load %arg12[%swap3A_213, %swap3A_214] {strides = array<i32>} : memref<24x1024xf32, #tpu.memory_space<vmem>>, vector<16xf32>,
      tpu.vector_store %arg12[%swap3A_213, %swap3A_214], %broadcast_in_dim3A_1 {strides = array<i32>} : memref<24x1024xf32, #tpu.memory_space<vmem>>, vector<16xf32>,
      %swap3A_216 = arith.constant 16 : i32
      %swap3A_217 = arith.index_cast %swap3A_216 : i32 to index
      %swap3A_218 = arith.index_cast %multiple_of3A_151 : i32 to index
      %swap3A_219 = tpu.vector_load %arg12[%swap3A_217, %swap3A_218] {strides = array<i32>} : memref<24x1024xf32, #tpu.memory_space<vmem>>, vector<16xf32>,
      tpu.vector_store %arg12[%swap3A_217, %swap3A_218], %broadcast_in_dim3A_1 {strides = array<i32>} : memref<24x1024xf32, #tpu.memory_space<vmem>>, vector<16xf32>,
      %swap3A_220 = arith.constant 17 : i32
      %swap3A_221 = arith.index_cast %swap3A_220 : i32 to index
      %swap3A_222 = arith.index_cast %multiple_of3A_151 : i32 to index
      %swap3A_223 = tpu.vector_load %arg12[%swap3A_221, %swap3A_222] {strides = array<i32>} : memref<24x1024xf32, #tpu.memory_space<vmem>>, vector<16xf32>,
      tpu.vector_store %arg12[%swap3A_221, %swap3A_222], %broadcast_in_dim3A_1 {strides = array<i32>} : memref<24x1024xf32, #tpu.memory_space<vmem>>, vector<16xf32>,
      %swap3A_224 = arith.constant 18 : i32
      %swap3A_225 = arith.index_cast %swap3A_224 : i32 to index
      %swap3A_226 = arith.index_cast %multiple_of3A_151 : i32 to index
      %swap3A_227 = tpu.vector_load %arg12[%swap3A_225, %swap3A_226] {strides = array<i32>} : memref<24x1024xf32, #tpu.memory_space<vmem>>, vector<16xf32>,
      tpu.vector_store %arg12[%swap3A_225, %swap3A_226], %broadcast_in_dim3A_1 {strides = array<i32>} : memref<24x1024xf32, #tpu.memory_space<vmem>>, vector<16xf32>,
      %swap3A_228 = arith.constant 19 : i32
      %swap3A_229 = arith.index_cast %swap3A_228 : i32 to index
      %swap3A_230 = arith.index_cast %multiple_of3A_151 : i32 to index
      %swap3A_231 = tpu.vector_load %arg12[%swap3A_229, %swap3A_230] {strides = array<i32>} : memref<24x1024xf32, #tpu.memory_space<vmem>>, vector<16xf32>,
      tpu.vector_store %arg12[%swap3A_229, %swap3A_230], %broadcast_in_dim3A_1 {strides = array<i32>} : memref<24x1024xf32, #tpu.memory_space<vmem>>, vector<16xf32>,
      %swap3A_232 = arith.constant 20 : i32
      %swap3A_233 = arith.index_cast %swap3A_232 : i32 to index
      %swap3A_234 = arith.index_cast %multiple_of3A_151 : i32 to index
      %swap3A_235 = tpu.vector_load %arg12[%swap3A_233, %swap3A_234] {strides = array<i32>} : memref<24x1024xf32, #tpu.memory_space<vmem>>, vector<16xf32>,
      tpu.vector_store %arg12[%swap3A_233, %swap3A_234], %broadcast_in_dim3A_1 {strides = array<i32>} : memref<24x1024xf32, #tpu.memory_space<vmem>>, vector<16xf32>,
      %swap3A_236 = arith.constant 21 : i32
      %swap3A_237 = arith.index_cast %swap3A_236 : i32 to index
      %swap3A_238 = arith.index_cast %multiple_of3A_151 : i32 to index
      %swap3A_239 = tpu.vector_load %arg12[%swap3A_237, %swap3A_238] {strides = array<i32>} : memref<24x1024xf32, #tpu.memory_space<vmem>>, vector<16xf32>,
      tpu.vector_store %arg12[%swap3A_237, %swap3A_238], %broadcast_in_dim3A_1 {strides = array<i32>} : memref<24x1024xf32, #tpu.memory_space<vmem>>, vector<16xf32>,
      %swap3A_240 = arith.constant 22 : i32
      %swap3A_241 = arith.index_cast %swap3A_240 : i32 to index
      %swap3A_242 = arith.index_cast %multiple_of3A_151 : i32 to index
      %swap3A_243 = tpu.vector_load %arg12[%swap3A_241, %swap3A_242] {strides = array<i32>} : memref<24x1024xf32, #tpu.memory_space<vmem>>, vector<16xf32>,
      tpu.vector_store %arg12[%swap3A_241, %swap3A_242], %broadcast_in_dim3A_1 {strides = array<i32>} : memref<24x1024xf32, #tpu.memory_space<vmem>>, vector<16xf32>,
      %swap3A_244 = arith.constant 23 : i32
      %swap3A_245 = arith.index_cast %swap3A_244 : i32 to index
      %swap3A_246 = arith.index_cast %multiple_of3A_151 : i32 to index
      %swap3A_247 = tpu.vector_load %arg12[%swap3A_245, %swap3A_246] {strides = array<i32>} : memref<24x1024xf32, #tpu.memory_space<vmem>>, vector<16xf32>,
      tpu.vector_store %arg12[%swap3A_245, %swap3A_246], %broadcast_in_dim3A_1 {strides = array<i32>} : memref<24x1024xf32, #tpu.memory_space<vmem>>, vector<16xf32>,
      %get3A_248 = arith.index_cast %multiple_of3A_151 : i32 to index
      %get3A_249 = tpu.vector_load %arg7[%get3A_248] {strides = array<i32>} : memref<1024xi32, #tpu.memory_space<vmem>>, vector<16xi32>,
      %gather3A = tpu.vector_load_idx %arg10[%get3A_249] : memref<192xi32, #tpu.memory_space<vmem>>[vector<16xi32>], vector<16xi32>,
      %add3A_250 = arith.constant 96 : i32
      %add3A_251 = vector.broadcast %add3A_250 : i32 to vector<16xi32>
      %add3A_252 = arith.addi %get3A_249, %add3A_251 : vector<16xi32>
      %gather3A_253 = tpu.vector_load_idx %arg10[%add3A_252] : memref<192xi32, #tpu.memory_space<vmem>>[vector<16xi32>], vector<16xi32>,
      %add3A_254 = vector.broadcast %multiple_of3A_151 : i32 to vector<16xi32>
      %add3A_255 = arith.addi %add3A_254, %iota3A : vector<16xi32>
      tpu.vector_store_idx %arg12[%gather3A, %add3A_255], %broadcast_in_dim3A_3 : memref<24x1024xf32, #tpu.memory_space<vmem>>[vector<16xi32>, vector<16xi32>], vector<16xf32>,
      tpu.vector_store_idx %arg12[%gather3A_253, %add3A_255], %broadcast_in_dim3A_3 : memref<24x1024xf32, #tpu.memory_space<vmem>>[vector<16xi32>, vector<16xi32>], vector<16xf32>,
    }
    %scan3A_99 = arith.constant 64 : i32
    %dma_start3A_100 = arith.constant 0 : i32
    %dma_start3A_101 = tpu.memref_slice %arg5[%dma_start3A_100, %multiple_of3A_12] : memref<24x100000xf32, #tpu.memory_space<hbm>> -> memref<24x1024xf32, #tpu.memory_space<hbm>>
    %dma_start3A_102 = arith.constant 0 : i32
    %dma_start3A_103 = tpu.memref_slice %arg5[%dma_start3A_102, %multiple_of3A_12] : memref<24x100000xf32, #tpu.memory_space<hbm>> -> memref<24x1024xf32, #tpu.memory_space<hbm>>
    tpu.enqueue_dma source(%arg12 : memref<24x1024xf32, #tpu.memory_space<vmem>>) target(%dma_start3A_103 : memref<24x1024xf32, #tpu.memory_space<hbm>>) target_semaphore(%arg19 : memref<!tpu.dma_semaphore, #tpu.memory_space<semaphore_mem>>)
    %dma_wait3A_104 = tpu.memref_slice %arg2[%multiple_of3A_17] : memref<100000xi32, #tpu.memory_space<hbm>> -> memref<1024xi32, #tpu.memory_space<hbm>>
    %dma_wait3A_105 = tpu.memref_slice %arg2[%multiple_of3A_17] : memref<100000xi32, #tpu.memory_space<hbm>> -> memref<1024xi32, #tpu.memory_space<hbm>>
    tpu.wait_dma2 semaphore(%arg17 : memref<!tpu.dma_semaphore, #tpu.memory_space<semaphore_mem>>) src(%dma_wait3A_105 : memref<1024xi32, #tpu.memory_space<hbm>>) dst(%arg8 : memref<1024xi32, #tpu.memory_space<vmem>>)
    %scan3A_106 = arith.constant 0 : i32
    %scan3A_107 = arith.constant 0 : i32
    %scan3A_108 = arith.constant 64 : i32
    %scan3A_109 = arith.addi %scan3A_107, %scan3A_108 : i32
    %scan3A_110 = arith.constant 1 : i32
    scf.for %scan3A_148 = %scan3A_107 to %scan3A_109 step %scan3A_110  : i32 {
      %mul3A_149 = arith.constant 16 : i32
      %mul3A_150 = arith.muli %scan3A_148, %mul3A_149 : i32
      %multiple_of3A_151 = tpu.assume_multiple %mul3A_150, 16 : i32
      %swap3A_152 = arith.constant 0 : i32
      %swap3A_153 = arith.index_cast %swap3A_152 : i32 to index
      %swap3A_154 = arith.index_cast %multiple_of3A_151 : i32 to index
      %swap3A_155 = tpu.vector_load %arg13[%swap3A_153, %swap3A_154] {strides = array<i32>} : memref<24x1024xf32, #tpu.memory_space<vmem>>, vector<16xf32>,
      tpu.vector_store %arg13[%swap3A_153, %swap3A_154], %broadcast_in_dim3A_1 {strides = array<i32>} : memref<24x1024xf32, #tpu.memory_space<vmem>>, vector<16xf32>,
      %swap3A_156 = arith.constant 1 : i32
      %swap3A_157 = arith.index_cast %swap3A_156 : i32 to index
      %swap3A_158 = arith.index_cast %multiple_of3A_151 : i32 to index
      %swap3A_159 = tpu.vector_load %arg13[%swap3A_157, %swap3A_158] {strides = array<i32>} : memref<24x1024xf32, #tpu.memory_space<vmem>>, vector<16xf32>,
      tpu.vector_store %arg13[%swap3A_157, %swap3A_158], %broadcast_in_dim3A_1 {strides = array<i32>} : memref<24x1024xf32, #tpu.memory_space<vmem>>, vector<16xf32>,
      %swap3A_160 = arith.constant 2 : i32
      %swap3A_161 = arith.index_cast %swap3A_160 : i32 to index
      %swap3A_162 = arith.index_cast %multiple_of3A_151 : i32 to index
      %swap3A_163 = tpu.vector_load %arg13[%swap3A_161, %swap3A_162] {strides = array<i32>} : memref<24x1024xf32, #tpu.memory_space<vmem>>, vector<16xf32>,
      tpu.vector_store %arg13[%swap3A_161, %swap3A_162], %broadcast_in_dim3A_1 {strides = array<i32>} : memref<24x1024xf32, #tpu.memory_space<vmem>>, vector<16xf32>,
      %swap3A_164 = arith.constant 3 : i32
      %swap3A_165 = arith.index_cast %swap3A_164 : i32 to index
      %swap3A_166 = arith.index_cast %multiple_of3A_151 : i32 to index
      %swap3A_167 = tpu.vector_load %arg13[%swap3A_165, %swap3A_166] {strides = array<i32>} : memref<24x1024xf32, #tpu.memory_space<vmem>>, vector<16xf32>,
      tpu.vector_store %arg13[%swap3A_165, %swap3A_166], %broadcast_in_dim3A_1 {strides = array<i32>} : memref<24x1024xf32, #tpu.memory_space<vmem>>, vector<16xf32>,
      %swap3A_168 = arith.constant 4 : i32
      %swap3A_169 = arith.index_cast %swap3A_168 : i32 to index
      %swap3A_170 = arith.index_cast %multiple_of3A_151 : i32 to index
      %swap3A_171 = tpu.vector_load %arg13[%swap3A_169, %swap3A_170] {strides = array<i32>} : memref<24x1024xf32, #tpu.memory_space<vmem>>, vector<16xf32>,
      tpu.vector_store %arg13[%swap3A_169, %swap3A_170], %broadcast_in_dim3A_1 {strides = array<i32>} : memref<24x1024xf32, #tpu.memory_space<vmem>>, vector<16xf32>,
      %swap3A_172 = arith.constant 5 : i32
      %swap3A_173 = arith.index_cast %swap3A_172 : i32 to index
      %swap3A_174 = arith.index_cast %multiple_of3A_151 : i32 to index
      %swap3A_175 = tpu.vector_load %arg13[%swap3A_173, %swap3A_174] {strides = array<i32>} : memref<24x1024xf32, #tpu.memory_space<vmem>>, vector<16xf32>,
      tpu.vector_store %arg13[%swap3A_173, %swap3A_174], %broadcast_in_dim3A_1 {strides = array<i32>} : memref<24x1024xf32, #tpu.memory_space<vmem>>, vector<16xf32>,
      %swap3A_176 = arith.constant 6 : i32
      %swap3A_177 = arith.index_cast %swap3A_176 : i32 to index
      %swap3A_178 = arith.index_cast %multiple_of3A_151 : i32 to index
      %swap3A_179 = tpu.vector_load %arg13[%swap3A_177, %swap3A_178] {strides = array<i32>} : memref<24x1024xf32, #tpu.memory_space<vmem>>, vector<16xf32>,
      tpu.vector_store %arg13[%swap3A_177, %swap3A_178], %broadcast_in_dim3A_1 {strides = array<i32>} : memref<24x1024xf32, #tpu.memory_space<vmem>>, vector<16xf32>,
      %swap3A_180 = arith.constant 7 : i32
      %swap3A_181 = arith.index_cast %swap3A_180 : i32 to index
      %swap3A_182 = arith.index_cast %multiple_of3A_151 : i32 to index
      %swap3A_183 = tpu.vector_load %arg13[%swap3A_181, %swap3A_182] {strides = array<i32>} : memref<24x1024xf32, #tpu.memory_space<vmem>>, vector<16xf32>,
      tpu.vector_store %arg13[%swap3A_181, %swap3A_182], %broadcast_in_dim3A_1 {strides = array<i32>} : memref<24x1024xf32, #tpu.memory_space<vmem>>, vector<16xf32>,
      %swap3A_184 = arith.constant 8 : i32
      %swap3A_185 = arith.index_cast %swap3A_184 : i32 to index
      %swap3A_186 = arith.index_cast %multiple_of3A_151 : i32 to index
      %swap3A_187 = tpu.vector_load %arg13[%swap3A_185, %swap3A_186] {strides = array<i32>} : memref<24x1024xf32, #tpu.memory_space<vmem>>, vector<16xf32>,
      tpu.vector_store %arg13[%swap3A_185, %swap3A_186], %broadcast_in_dim3A_1 {strides = array<i32>} : memref<24x1024xf32, #tpu.memory_space<vmem>>, vector<16xf32>,
      %swap3A_188 = arith.constant 9 : i32
      %swap3A_189 = arith.index_cast %swap3A_188 : i32 to index
      %swap3A_190 = arith.index_cast %multiple_of3A_151 : i32 to index
      %swap3A_191 = tpu.vector_load %arg13[%swap3A_189, %swap3A_190] {strides = array<i32>} : memref<24x1024xf32, #tpu.memory_space<vmem>>, vector<16xf32>,
      tpu.vector_store %arg13[%swap3A_189, %swap3A_190], %broadcast_in_dim3A_1 {strides = array<i32>} : memref<24x1024xf32, #tpu.memory_space<vmem>>, vector<16xf32>,
      %swap3A_192 = arith.constant 10 : i32
      %swap3A_193 = arith.index_cast %swap3A_192 : i32 to index
      %swap3A_194 = arith.index_cast %multiple_of3A_151 : i32 to index
      %swap3A_195 = tpu.vector_load %arg13[%swap3A_193, %swap3A_194] {strides = array<i32>} : memref<24x1024xf32, #tpu.memory_space<vmem>>, vector<16xf32>,
      tpu.vector_store %arg13[%swap3A_193, %swap3A_194], %broadcast_in_dim3A_1 {strides = array<i32>} : memref<24x1024xf32, #tpu.memory_space<vmem>>, vector<16xf32>,
      %swap3A_196 = arith.constant 11 : i32
      %swap3A_197 = arith.index_cast %swap3A_196 : i32 to index
      %swap3A_198 = arith.index_cast %multiple_of3A_151 : i32 to index
      %swap3A_199 = tpu.vector_load %arg13[%swap3A_197, %swap3A_198] {strides = array<i32>} : memref<24x1024xf32, #tpu.memory_space<vmem>>, vector<16xf32>,
      tpu.vector_store %arg13[%swap3A_197, %swap3A_198], %broadcast_in_dim3A_1 {strides = array<i32>} : memref<24x1024xf32, #tpu.memory_space<vmem>>, vector<16xf32>,
      %swap3A_200 = arith.constant 12 : i32
      %swap3A_201 = arith.index_cast %swap3A_200 : i32 to index
      %swap3A_202 = arith.index_cast %multiple_of3A_151 : i32 to index
      %swap3A_203 = tpu.vector_load %arg13[%swap3A_201, %swap3A_202] {strides = array<i32>} : memref<24x1024xf32, #tpu.memory_space<vmem>>, vector<16xf32>,
      tpu.vector_store %arg13[%swap3A_201, %swap3A_202], %broadcast_in_dim3A_1 {strides = array<i32>} : memref<24x1024xf32, #tpu.memory_space<vmem>>, vector<16xf32>,
      %swap3A_204 = arith.constant 13 : i32
      %swap3A_205 = arith.index_cast %swap3A_204 : i32 to index
      %swap3A_206 = arith.index_cast %multiple_of3A_151 : i32 to index
      %swap3A_207 = tpu.vector_load %arg13[%swap3A_205, %swap3A_206] {strides = array<i32>} : memref<24x1024xf32, #tpu.memory_space<vmem>>, vector<16xf32>,
      tpu.vector_store %arg13[%swap3A_205, %swap3A_206], %broadcast_in_dim3A_1 {strides = array<i32>} : memref<24x1024xf32, #tpu.memory_space<vmem>>, vector<16xf32>,
      %swap3A_208 = arith.constant 14 : i32
      %swap3A_209 = arith.index_cast %swap3A_208 : i32 to index
      %swap3A_210 = arith.index_cast %multiple_of3A_151 : i32 to index
      %swap3A_211 = tpu.vector_load %arg13[%swap3A_209, %swap3A_210] {strides = array<i32>} : memref<24x1024xf32, #tpu.memory_space<vmem>>, vector<16xf32>,
      tpu.vector_store %arg13[%swap3A_209, %swap3A_210], %broadcast_in_dim3A_1 {strides = array<i32>} : memref<24x1024xf32, #tpu.memory_space<vmem>>, vector<16xf32>,
      %swap3A_212 = arith.constant 15 : i32
      %swap3A_213 = arith.index_cast %swap3A_212 : i32 to index
      %swap3A_214 = arith.index_cast %multiple_of3A_151 : i32 to index
      %swap3A_215 = tpu.vector_load %arg13[%swap3A_213, %swap3A_214] {strides = array<i32>} : memref<24x1024xf32, #tpu.memory_space<vmem>>, vector<16xf32>,
      tpu.vector_store %arg13[%swap3A_213, %swap3A_214], %broadcast_in_dim3A_1 {strides = array<i32>} : memref<24x1024xf32, #tpu.memory_space<vmem>>, vector<16xf32>,
      %swap3A_216 = arith.constant 16 : i32
      %swap3A_217 = arith.index_cast %swap3A_216 : i32 to index
      %swap3A_218 = arith.index_cast %multiple_of3A_151 : i32 to index
      %swap3A_219 = tpu.vector_load %arg13[%swap3A_217, %swap3A_218] {strides = array<i32>} : memref<24x1024xf32, #tpu.memory_space<vmem>>, vector<16xf32>,
      tpu.vector_store %arg13[%swap3A_217, %swap3A_218], %broadcast_in_dim3A_1 {strides = array<i32>} : memref<24x1024xf32, #tpu.memory_space<vmem>>, vector<16xf32>,
      %swap3A_220 = arith.constant 17 : i32
      %swap3A_221 = arith.index_cast %swap3A_220 : i32 to index
      %swap3A_222 = arith.index_cast %multiple_of3A_151 : i32 to index
      %swap3A_223 = tpu.vector_load %arg13[%swap3A_221, %swap3A_222] {strides = array<i32>} : memref<24x1024xf32, #tpu.memory_space<vmem>>, vector<16xf32>,
      tpu.vector_store %arg13[%swap3A_221, %swap3A_222], %broadcast_in_dim3A_1 {strides = array<i32>} : memref<24x1024xf32, #tpu.memory_space<vmem>>, vector<16xf32>,
      %swap3A_224 = arith.constant 18 : i32
      %swap3A_225 = arith.index_cast %swap3A_224 : i32 to index
      %swap3A_226 = arith.index_cast %multiple_of3A_151 : i32 to index
      %swap3A_227 = tpu.vector_load %arg13[%swap3A_225, %swap3A_226] {strides = array<i32>} : memref<24x1024xf32, #tpu.memory_space<vmem>>, vector<16xf32>,
      tpu.vector_store %arg13[%swap3A_225, %swap3A_226], %broadcast_in_dim3A_1 {strides = array<i32>} : memref<24x1024xf32, #tpu.memory_space<vmem>>, vector<16xf32>,
      %swap3A_228 = arith.constant 19 : i32
      %swap3A_229 = arith.index_cast %swap3A_228 : i32 to index
      %swap3A_230 = arith.index_cast %multiple_of3A_151 : i32 to index
      %swap3A_231 = tpu.vector_load %arg13[%swap3A_229, %swap3A_230] {strides = array<i32>} : memref<24x1024xf32, #tpu.memory_space<vmem>>, vector<16xf32>,
      tpu.vector_store %arg13[%swap3A_229, %swap3A_230], %broadcast_in_dim3A_1 {strides = array<i32>} : memref<24x1024xf32, #tpu.memory_space<vmem>>, vector<16xf32>,
      %swap3A_232 = arith.constant 20 : i32
      %swap3A_233 = arith.index_cast %swap3A_232 : i32 to index
      %swap3A_234 = arith.index_cast %multiple_of3A_151 : i32 to index
      %swap3A_235 = tpu.vector_load %arg13[%swap3A_233, %swap3A_234] {strides = array<i32>} : memref<24x1024xf32, #tpu.memory_space<vmem>>, vector<16xf32>,
      tpu.vector_store %arg13[%swap3A_233, %swap3A_234], %broadcast_in_dim3A_1 {strides = array<i32>} : memref<24x1024xf32, #tpu.memory_space<vmem>>, vector<16xf32>,
      %swap3A_236 = arith.constant 21 : i32
      %swap3A_237 = arith.index_cast %swap3A_236 : i32 to index
      %swap3A_238 = arith.index_cast %multiple_of3A_151 : i32 to index
      %swap3A_239 = tpu.vector_load %arg13[%swap3A_237, %swap3A_238] {strides = array<i32>} : memref<24x1024xf32, #tpu.memory_space<vmem>>, vector<16xf32>,
      tpu.vector_store %arg13[%swap3A_237, %swap3A_238], %broadcast_in_dim3A_1 {strides = array<i32>} : memref<24x1024xf32, #tpu.memory_space<vmem>>, vector<16xf32>,
      %swap3A_240 = arith.constant 22 : i32
      %swap3A_241 = arith.index_cast %swap3A_240 : i32 to index
      %swap3A_242 = arith.index_cast %multiple_of3A_151 : i32 to index
      %swap3A_243 = tpu.vector_load %arg13[%swap3A_241, %swap3A_242] {strides = array<i32>} : memref<24x1024xf32, #tpu.memory_space<vmem>>, vector<16xf32>,
      tpu.vector_store %arg13[%swap3A_241, %swap3A_242], %broadcast_in_dim3A_1 {strides = array<i32>} : memref<24x1024xf32, #tpu.memory_space<vmem>>, vector<16xf32>,
      %swap3A_244 = arith.constant 23 : i32
      %swap3A_245 = arith.index_cast %swap3A_244 : i32 to index
      %swap3A_246 = arith.index_cast %multiple_of3A_151 : i32 to index
      %swap3A_247 = tpu.vector_load %arg13[%swap3A_245, %swap3A_246] {strides = array<i32>} : memref<24x1024xf32, #tpu.memory_space<vmem>>, vector<16xf32>,
      tpu.vector_store %arg13[%swap3A_245, %swap3A_246], %broadcast_in_dim3A_1 {strides = array<i32>} : memref<24x1024xf32, #tpu.memory_space<vmem>>, vector<16xf32>,
      %get3A_248 = arith.index_cast %multiple_of3A_151 : i32 to index
      %get3A_249 = tpu.vector_load %arg8[%get3A_248] {strides = array<i32>} : memref<1024xi32, #tpu.memory_space<vmem>>, vector<16xi32>,
      %gather3A = tpu.vector_load_idx %arg10[%get3A_249] : memref<192xi32, #tpu.memory_space<vmem>>[vector<16xi32>], vector<16xi32>,
      %add3A_250 = arith.constant 96 : i32
      %add3A_251 = vector.broadcast %add3A_250 : i32 to vector<16xi32>
      %add3A_252 = arith.addi %get3A_249, %add3A_251 : vector<16xi32>
      %gather3A_253 = tpu.vector_load_idx %arg10[%add3A_252] : memref<192xi32, #tpu.memory_space<vmem>>[vector<16xi32>], vector<16xi32>,
      %add3A_254 = vector.broadcast %multiple_of3A_151 : i32 to vector<16xi32>
      %add3A_255 = arith.addi %add3A_254, %iota3A : vector<16xi32>
      tpu.vector_store_idx %arg13[%gather3A, %add3A_255], %broadcast_in_dim3A_3 : memref<24x1024xf32, #tpu.memory_space<vmem>>[vector<16xi32>, vector<16xi32>], vector<16xf32>,
      tpu.vector_store_idx %arg13[%gather3A_253, %add3A_255], %broadcast_in_dim3A_3 : memref<24x1024xf32, #tpu.memory_space<vmem>>[vector<16xi32>, vector<16xi32>], vector<16xf32>,
    }
    %scan3A_111 = arith.constant 64 : i32
    %dma_start3A_112 = arith.constant 0 : i32
    %dma_start3A_113 = tpu.memref_slice %arg5[%dma_start3A_112, %multiple_of3A_17] : memref<24x100000xf32, #tpu.memory_space<hbm>> -> memref<24x1024xf32, #tpu.memory_space<hbm>>
    %dma_start3A_114 = arith.constant 0 : i32
    %dma_start3A_115 = tpu.memref_slice %arg5[%dma_start3A_114, %multiple_of3A_17] : memref<24x100000xf32, #tpu.memory_space<hbm>> -> memref<24x1024xf32, #tpu.memory_space<hbm>>
    tpu.enqueue_dma source(%arg13 : memref<24x1024xf32, #tpu.memory_space<vmem>>) target(%dma_start3A_115 : memref<24x1024xf32, #tpu.memory_space<hbm>>) target_semaphore(%arg19 : memref<!tpu.dma_semaphore, #tpu.memory_space<semaphore_mem>>)
    %eq3A_116 = arith.constant 0 : i32
    %eq3A_117 = arith.cmpi eq, %add3A, %eq3A_116 : i32
    %convert_element_type3A_118 = arith.extui %eq3A_117 : i1 to i32
    %cond3A_119 = arith.constant 0 : i32
    %cond3A_120 = arith.cmpi ne, %convert_element_type3A_118, %cond3A_119 : i32
    scf.if %cond3A_120 {
      %dma_wait3A_148 = arith.constant 98304 : i32
      %dma_wait3A_149 = tpu.memref_slice %arg2[%dma_wait3A_148] : memref<100000xi32, #tpu.memory_space<hbm>> -> memref<1024xi32, #tpu.memory_space<hbm>>
      %dma_wait3A_150 = arith.constant 98304 : i32
      %dma_wait3A_151 = tpu.memref_slice %arg2[%dma_wait3A_150] : memref<100000xi32, #tpu.memory_space<hbm>> -> memref<1024xi32, #tpu.memory_space<hbm>>
      tpu.wait_dma2 semaphore(%arg18 : memref<!tpu.dma_semaphore, #tpu.memory_space<semaphore_mem>>) src(%dma_wait3A_151 : memref<1024xi32, #tpu.memory_space<hbm>>) dst(%arg9 : memref<1024xi32, #tpu.memory_space<vmem>>)
      %scan3A_152 = arith.constant 0 : i32
      %scan3A_153 = arith.constant 0 : i32
      %scan3A_154 = arith.constant 64 : i32
      %scan3A_155 = arith.addi %scan3A_153, %scan3A_154 : i32
      %scan3A_156 = arith.constant 1 : i32
      scf.for %scan3A_164 = %scan3A_153 to %scan3A_155 step %scan3A_156  : i32 {
        %mul3A_165 = arith.constant 16 : i32
        %mul3A_166 = arith.muli %scan3A_164, %mul3A_165 : i32
        %multiple_of3A_167 = tpu.assume_multiple %mul3A_166, 16 : i32
        %swap3A_168 = arith.constant 0 : i32
        %swap3A_169 = arith.index_cast %swap3A_168 : i32 to index
        %swap3A_170 = arith.index_cast %multiple_of3A_167 : i32 to index
        %swap3A_171 = tpu.vector_load %arg14[%swap3A_169, %swap3A_170] {strides = array<i32>} : memref<24x1024xf32, #tpu.memory_space<vmem>>, vector<16xf32>,
        tpu.vector_store %arg14[%swap3A_169, %swap3A_170], %broadcast_in_dim3A_1 {strides = array<i32>} : memref<24x1024xf32, #tpu.memory_space<vmem>>, vector<16xf32>,
        %swap3A_172 = arith.constant 1 : i32
        %swap3A_173 = arith.index_cast %swap3A_172 : i32 to index
        %swap3A_174 = arith.index_cast %multiple_of3A_167 : i32 to index
        %swap3A_175 = tpu.vector_load %arg14[%swap3A_173, %swap3A_174] {strides = array<i32>} : memref<24x1024xf32, #tpu.memory_space<vmem>>, vector<16xf32>,
        tpu.vector_store %arg14[%swap3A_173, %swap3A_174], %broadcast_in_dim3A_1 {strides = array<i32>} : memref<24x1024xf32, #tpu.memory_space<vmem>>, vector<16xf32>,
        %swap3A_176 = arith.constant 2 : i32
        %swap3A_177 = arith.index_cast %swap3A_176 : i32 to index
        %swap3A_178 = arith.index_cast %multiple_of3A_167 : i32 to index
        %swap3A_179 = tpu.vector_load %arg14[%swap3A_177, %swap3A_178] {strides = array<i32>} : memref<24x1024xf32, #tpu.memory_space<vmem>>, vector<16xf32>,
        tpu.vector_store %arg14[%swap3A_177, %swap3A_178], %broadcast_in_dim3A_1 {strides = array<i32>} : memref<24x1024xf32, #tpu.memory_space<vmem>>, vector<16xf32>,
        %swap3A_180 = arith.constant 3 : i32
        %swap3A_181 = arith.index_cast %swap3A_180 : i32 to index
        %swap3A_182 = arith.index_cast %multiple_of3A_167 : i32 to index
        %swap3A_183 = tpu.vector_load %arg14[%swap3A_181, %swap3A_182] {strides = array<i32>} : memref<24x1024xf32, #tpu.memory_space<vmem>>, vector<16xf32>,
        tpu.vector_store %arg14[%swap3A_181, %swap3A_182], %broadcast_in_dim3A_1 {strides = array<i32>} : memref<24x1024xf32, #tpu.memory_space<vmem>>, vector<16xf32>,
        %swap3A_184 = arith.constant 4 : i32
        %swap3A_185 = arith.index_cast %swap3A_184 : i32 to index
        %swap3A_186 = arith.index_cast %multiple_of3A_167 : i32 to index
        %swap3A_187 = tpu.vector_load %arg14[%swap3A_185, %swap3A_186] {strides = array<i32>} : memref<24x1024xf32, #tpu.memory_space<vmem>>, vector<16xf32>,
        tpu.vector_store %arg14[%swap3A_185, %swap3A_186], %broadcast_in_dim3A_1 {strides = array<i32>} : memref<24x1024xf32, #tpu.memory_space<vmem>>, vector<16xf32>,
        %swap3A_188 = arith.constant 5 : i32
        %swap3A_189 = arith.index_cast %swap3A_188 : i32 to index
        %swap3A_190 = arith.index_cast %multiple_of3A_167 : i32 to index
        %swap3A_191 = tpu.vector_load %arg14[%swap3A_189, %swap3A_190] {strides = array<i32>} : memref<24x1024xf32, #tpu.memory_space<vmem>>, vector<16xf32>,
        tpu.vector_store %arg14[%swap3A_189, %swap3A_190], %broadcast_in_dim3A_1 {strides = array<i32>} : memref<24x1024xf32, #tpu.memory_space<vmem>>, vector<16xf32>,
        %swap3A_192 = arith.constant 6 : i32
        %swap3A_193 = arith.index_cast %swap3A_192 : i32 to index
        %swap3A_194 = arith.index_cast %multiple_of3A_167 : i32 to index
        %swap3A_195 = tpu.vector_load %arg14[%swap3A_193, %swap3A_194] {strides = array<i32>} : memref<24x1024xf32, #tpu.memory_space<vmem>>, vector<16xf32>,
        tpu.vector_store %arg14[%swap3A_193, %swap3A_194], %broadcast_in_dim3A_1 {strides = array<i32>} : memref<24x1024xf32, #tpu.memory_space<vmem>>, vector<16xf32>,
        %swap3A_196 = arith.constant 7 : i32
        %swap3A_197 = arith.index_cast %swap3A_196 : i32 to index
        %swap3A_198 = arith.index_cast %multiple_of3A_167 : i32 to index
        %swap3A_199 = tpu.vector_load %arg14[%swap3A_197, %swap3A_198] {strides = array<i32>} : memref<24x1024xf32, #tpu.memory_space<vmem>>, vector<16xf32>,
        tpu.vector_store %arg14[%swap3A_197, %swap3A_198], %broadcast_in_dim3A_1 {strides = array<i32>} : memref<24x1024xf32, #tpu.memory_space<vmem>>, vector<16xf32>,
        %swap3A_200 = arith.constant 8 : i32
        %swap3A_201 = arith.index_cast %swap3A_200 : i32 to index
        %swap3A_202 = arith.index_cast %multiple_of3A_167 : i32 to index
        %swap3A_203 = tpu.vector_load %arg14[%swap3A_201, %swap3A_202] {strides = array<i32>} : memref<24x1024xf32, #tpu.memory_space<vmem>>, vector<16xf32>,
        tpu.vector_store %arg14[%swap3A_201, %swap3A_202], %broadcast_in_dim3A_1 {strides = array<i32>} : memref<24x1024xf32, #tpu.memory_space<vmem>>, vector<16xf32>,
        %swap3A_204 = arith.constant 9 : i32
        %swap3A_205 = arith.index_cast %swap3A_204 : i32 to index
        %swap3A_206 = arith.index_cast %multiple_of3A_167 : i32 to index
        %swap3A_207 = tpu.vector_load %arg14[%swap3A_205, %swap3A_206] {strides = array<i32>} : memref<24x1024xf32, #tpu.memory_space<vmem>>, vector<16xf32>,
        tpu.vector_store %arg14[%swap3A_205, %swap3A_206], %broadcast_in_dim3A_1 {strides = array<i32>} : memref<24x1024xf32, #tpu.memory_space<vmem>>, vector<16xf32>,
        %swap3A_208 = arith.constant 10 : i32
        %swap3A_209 = arith.index_cast %swap3A_208 : i32 to index
        %swap3A_210 = arith.index_cast %multiple_of3A_167 : i32 to index
        %swap3A_211 = tpu.vector_load %arg14[%swap3A_209, %swap3A_210] {strides = array<i32>} : memref<24x1024xf32, #tpu.memory_space<vmem>>, vector<16xf32>,
        tpu.vector_store %arg14[%swap3A_209, %swap3A_210], %broadcast_in_dim3A_1 {strides = array<i32>} : memref<24x1024xf32, #tpu.memory_space<vmem>>, vector<16xf32>,
        %swap3A_212 = arith.constant 11 : i32
        %swap3A_213 = arith.index_cast %swap3A_212 : i32 to index
        %swap3A_214 = arith.index_cast %multiple_of3A_167 : i32 to index
        %swap3A_215 = tpu.vector_load %arg14[%swap3A_213, %swap3A_214] {strides = array<i32>} : memref<24x1024xf32, #tpu.memory_space<vmem>>, vector<16xf32>,
        tpu.vector_store %arg14[%swap3A_213, %swap3A_214], %broadcast_in_dim3A_1 {strides = array<i32>} : memref<24x1024xf32, #tpu.memory_space<vmem>>, vector<16xf32>,
        %swap3A_216 = arith.constant 12 : i32
        %swap3A_217 = arith.index_cast %swap3A_216 : i32 to index
        %swap3A_218 = arith.index_cast %multiple_of3A_167 : i32 to index
        %swap3A_219 = tpu.vector_load %arg14[%swap3A_217, %swap3A_218] {strides = array<i32>} : memref<24x1024xf32, #tpu.memory_space<vmem>>, vector<16xf32>,
        tpu.vector_store %arg14[%swap3A_217, %swap3A_218], %broadcast_in_dim3A_1 {strides = array<i32>} : memref<24x1024xf32, #tpu.memory_space<vmem>>, vector<16xf32>,
        %swap3A_220 = arith.constant 13 : i32
        %swap3A_221 = arith.index_cast %swap3A_220 : i32 to index
        %swap3A_222 = arith.index_cast %multiple_of3A_167 : i32 to index
        %swap3A_223 = tpu.vector_load %arg14[%swap3A_221, %swap3A_222] {strides = array<i32>} : memref<24x1024xf32, #tpu.memory_space<vmem>>, vector<16xf32>,
        tpu.vector_store %arg14[%swap3A_221, %swap3A_222], %broadcast_in_dim3A_1 {strides = array<i32>} : memref<24x1024xf32, #tpu.memory_space<vmem>>, vector<16xf32>,
        %swap3A_224 = arith.constant 14 : i32
        %swap3A_225 = arith.index_cast %swap3A_224 : i32 to index
        %swap3A_226 = arith.index_cast %multiple_of3A_167 : i32 to index
        %swap3A_227 = tpu.vector_load %arg14[%swap3A_225, %swap3A_226] {strides = array<i32>} : memref<24x1024xf32, #tpu.memory_space<vmem>>, vector<16xf32>,
        tpu.vector_store %arg14[%swap3A_225, %swap3A_226], %broadcast_in_dim3A_1 {strides = array<i32>} : memref<24x1024xf32, #tpu.memory_space<vmem>>, vector<16xf32>,
        %swap3A_228 = arith.constant 15 : i32
        %swap3A_229 = arith.index_cast %swap3A_228 : i32 to index
        %swap3A_230 = arith.index_cast %multiple_of3A_167 : i32 to index
        %swap3A_231 = tpu.vector_load %arg14[%swap3A_229, %swap3A_230] {strides = array<i32>} : memref<24x1024xf32, #tpu.memory_space<vmem>>, vector<16xf32>,
        tpu.vector_store %arg14[%swap3A_229, %swap3A_230], %broadcast_in_dim3A_1 {strides = array<i32>} : memref<24x1024xf32, #tpu.memory_space<vmem>>, vector<16xf32>,
        %swap3A_232 = arith.constant 16 : i32
        %swap3A_233 = arith.index_cast %swap3A_232 : i32 to index
        %swap3A_234 = arith.index_cast %multiple_of3A_167 : i32 to index
        %swap3A_235 = tpu.vector_load %arg14[%swap3A_233, %swap3A_234] {strides = array<i32>} : memref<24x1024xf32, #tpu.memory_space<vmem>>, vector<16xf32>,
        tpu.vector_store %arg14[%swap3A_233, %swap3A_234], %broadcast_in_dim3A_1 {strides = array<i32>} : memref<24x1024xf32, #tpu.memory_space<vmem>>, vector<16xf32>,
        %swap3A_236 = arith.constant 17 : i32
        %swap3A_237 = arith.index_cast %swap3A_236 : i32 to index
        %swap3A_238 = arith.index_cast %multiple_of3A_167 : i32 to index
        %swap3A_239 = tpu.vector_load %arg14[%swap3A_237, %swap3A_238] {strides = array<i32>} : memref<24x1024xf32, #tpu.memory_space<vmem>>, vector<16xf32>,
        tpu.vector_store %arg14[%swap3A_237, %swap3A_238], %broadcast_in_dim3A_1 {strides = array<i32>} : memref<24x1024xf32, #tpu.memory_space<vmem>>, vector<16xf32>,
        %swap3A_240 = arith.constant 18 : i32
        %swap3A_241 = arith.index_cast %swap3A_240 : i32 to index
        %swap3A_242 = arith.index_cast %multiple_of3A_167 : i32 to index
        %swap3A_243 = tpu.vector_load %arg14[%swap3A_241, %swap3A_242] {strides = array<i32>} : memref<24x1024xf32, #tpu.memory_space<vmem>>, vector<16xf32>,
        tpu.vector_store %arg14[%swap3A_241, %swap3A_242], %broadcast_in_dim3A_1 {strides = array<i32>} : memref<24x1024xf32, #tpu.memory_space<vmem>>, vector<16xf32>,
        %swap3A_244 = arith.constant 19 : i32
        %swap3A_245 = arith.index_cast %swap3A_244 : i32 to index
        %swap3A_246 = arith.index_cast %multiple_of3A_167 : i32 to index
        %swap3A_247 = tpu.vector_load %arg14[%swap3A_245, %swap3A_246] {strides = array<i32>} : memref<24x1024xf32, #tpu.memory_space<vmem>>, vector<16xf32>,
        tpu.vector_store %arg14[%swap3A_245, %swap3A_246], %broadcast_in_dim3A_1 {strides = array<i32>} : memref<24x1024xf32, #tpu.memory_space<vmem>>, vector<16xf32>,
        %swap3A_248 = arith.constant 20 : i32
        %swap3A_249 = arith.index_cast %swap3A_248 : i32 to index
        %swap3A_250 = arith.index_cast %multiple_of3A_167 : i32 to index
        %swap3A_251 = tpu.vector_load %arg14[%swap3A_249, %swap3A_250] {strides = array<i32>} : memref<24x1024xf32, #tpu.memory_space<vmem>>, vector<16xf32>,
        tpu.vector_store %arg14[%swap3A_249, %swap3A_250], %broadcast_in_dim3A_1 {strides = array<i32>} : memref<24x1024xf32, #tpu.memory_space<vmem>>, vector<16xf32>,
        %swap3A_252 = arith.constant 21 : i32
        %swap3A_253 = arith.index_cast %swap3A_252 : i32 to index
        %swap3A_254 = arith.index_cast %multiple_of3A_167 : i32 to index
        %swap3A_255 = tpu.vector_load %arg14[%swap3A_253, %swap3A_254] {strides = array<i32>} : memref<24x1024xf32, #tpu.memory_space<vmem>>, vector<16xf32>,
        tpu.vector_store %arg14[%swap3A_253, %swap3A_254], %broadcast_in_dim3A_1 {strides = array<i32>} : memref<24x1024xf32, #tpu.memory_space<vmem>>, vector<16xf32>,
        %swap3A_256 = arith.constant 22 : i32
        %swap3A_257 = arith.index_cast %swap3A_256 : i32 to index
        %swap3A_258 = arith.index_cast %multiple_of3A_167 : i32 to index
        %swap3A_259 = tpu.vector_load %arg14[%swap3A_257, %swap3A_258] {strides = array<i32>} : memref<24x1024xf32, #tpu.memory_space<vmem>>, vector<16xf32>,
        tpu.vector_store %arg14[%swap3A_257, %swap3A_258], %broadcast_in_dim3A_1 {strides = array<i32>} : memref<24x1024xf32, #tpu.memory_space<vmem>>, vector<16xf32>,
        %swap3A_260 = arith.constant 23 : i32
        %swap3A_261 = arith.index_cast %swap3A_260 : i32 to index
        %swap3A_262 = arith.index_cast %multiple_of3A_167 : i32 to index
        %swap3A_263 = tpu.vector_load %arg14[%swap3A_261, %swap3A_262] {strides = array<i32>} : memref<24x1024xf32, #tpu.memory_space<vmem>>, vector<16xf32>,
        tpu.vector_store %arg14[%swap3A_261, %swap3A_262], %broadcast_in_dim3A_1 {strides = array<i32>} : memref<24x1024xf32, #tpu.memory_space<vmem>>, vector<16xf32>,
        %get3A_264 = arith.index_cast %multiple_of3A_167 : i32 to index
        %get3A_265 = tpu.vector_load %arg9[%get3A_264] {strides = array<i32>} : memref<1024xi32, #tpu.memory_space<vmem>>, vector<16xi32>,
        %gather3A = tpu.vector_load_idx %arg10[%get3A_265] : memref<192xi32, #tpu.memory_space<vmem>>[vector<16xi32>], vector<16xi32>,
        %add3A_266 = arith.constant 96 : i32
        %add3A_267 = vector.broadcast %add3A_266 : i32 to vector<16xi32>
        %add3A_268 = arith.addi %get3A_265, %add3A_267 : vector<16xi32>
        %gather3A_269 = tpu.vector_load_idx %arg10[%add3A_268] : memref<192xi32, #tpu.memory_space<vmem>>[vector<16xi32>], vector<16xi32>,
        %add3A_270 = vector.broadcast %multiple_of3A_167 : i32 to vector<16xi32>
        %add3A_271 = arith.addi %add3A_270, %iota3A : vector<16xi32>
        tpu.vector_store_idx %arg14[%gather3A, %add3A_271], %broadcast_in_dim3A_3 : memref<24x1024xf32, #tpu.memory_space<vmem>>[vector<16xi32>, vector<16xi32>], vector<16xf32>,
        tpu.vector_store_idx %arg14[%gather3A_269, %add3A_271], %broadcast_in_dim3A_3 : memref<24x1024xf32, #tpu.memory_space<vmem>>[vector<16xi32>, vector<16xi32>], vector<16xf32>,
      }
      %scan3A_157 = arith.constant 64 : i32
      %dma_start3A_158 = arith.constant 0 : i32
      %dma_start3A_159 = arith.constant 98304 : i32
      %dma_start3A_160 = tpu.memref_slice %arg5[%dma_start3A_158, %dma_start3A_159] : memref<24x100000xf32, #tpu.memory_space<hbm>> -> memref<24x1024xf32, #tpu.memory_space<hbm>>
      %dma_start3A_161 = arith.constant 0 : i32
      %dma_start3A_162 = arith.constant 98304 : i32
      %dma_start3A_163 = tpu.memref_slice %arg5[%dma_start3A_161, %dma_start3A_162] : memref<24x100000xf32, #tpu.memory_space<hbm>> -> memref<24x1024xf32, #tpu.memory_space<hbm>>
      tpu.enqueue_dma source(%arg14 : memref<24x1024xf32, #tpu.memory_space<vmem>>) target(%dma_start3A_163 : memref<24x1024xf32, #tpu.memory_space<hbm>>) target_semaphore(%arg19 : memref<!tpu.dma_semaphore, #tpu.memory_space<semaphore_mem>>)
    } else {
    }
    %eq3A_121 = arith.constant 1 : i32
    %eq3A_122 = arith.cmpi eq, %add3A, %eq3A_121 : i32
    %convert_element_type3A_123 = arith.extui %eq3A_122 : i1 to i32
    %cond3A_124 = arith.constant 0 : i32
    %cond3A_125 = arith.cmpi ne, %convert_element_type3A_123, %cond3A_124 : i32
    scf.if %cond3A_125 {
      %dma_wait3A_148 = arith.constant 0 : i32
      %dma_wait3A_149 = tpu.memref_slice %arg9[%dma_wait3A_148] : memref<1024xi32, #tpu.memory_space<vmem>> -> memref<672xi32, #tpu.memory_space<vmem>>
      %dma_wait3A_150 = arith.constant 99328 : i32
      %dma_wait3A_151 = tpu.memref_slice %arg2[%dma_wait3A_150] : memref<100000xi32, #tpu.memory_space<hbm>> -> memref<672xi32, #tpu.memory_space<hbm>>
      %dma_wait3A_152 = arith.constant 0 : i32
      %dma_wait3A_153 = tpu.memref_slice %arg9[%dma_wait3A_152] : memref<1024xi32, #tpu.memory_space<vmem>> -> memref<672xi32, #tpu.memory_space<vmem>>
      %dma_wait3A_154 = arith.constant 99328 : i32
      %dma_wait3A_155 = tpu.memref_slice %arg2[%dma_wait3A_154] : memref<100000xi32, #tpu.memory_space<hbm>> -> memref<672xi32, #tpu.memory_space<hbm>>
      tpu.wait_dma2 semaphore(%arg18 : memref<!tpu.dma_semaphore, #tpu.memory_space<semaphore_mem>>) src(%dma_wait3A_155 : memref<672xi32, #tpu.memory_space<hbm>>) dst(%dma_wait3A_153 : memref<672xi32, #tpu.memory_space<vmem>>)
      %scan3A_156 = arith.constant 0 : i32
      %scan3A_157 = arith.constant 0 : i32
      %scan3A_158 = arith.constant 48 : i32
      %scan3A_159 = arith.addi %scan3A_157, %scan3A_158 : i32
      %scan3A_160 = arith.constant 1 : i32
      scf.for %scan3A_184 = %scan3A_157 to %scan3A_159 step %scan3A_160  : i32 {
        %mul3A_185 = arith.constant 16 : i32
        %mul3A_186 = arith.muli %scan3A_184, %mul3A_185 : i32
        %multiple_of3A_187 = tpu.assume_multiple %mul3A_186, 16 : i32
        %swap3A_188 = arith.constant 0 : i32
        %swap3A_189 = arith.index_cast %swap3A_188 : i32 to index
        %swap3A_190 = arith.index_cast %multiple_of3A_187 : i32 to index
        %swap3A_191 = tpu.vector_load %arg14[%swap3A_189, %swap3A_190] {strides = array<i32>} : memref<24x1024xf32, #tpu.memory_space<vmem>>, vector<16xf32>,
        tpu.vector_store %arg14[%swap3A_189, %swap3A_190], %broadcast_in_dim3A_1 {strides = array<i32>} : memref<24x1024xf32, #tpu.memory_space<vmem>>, vector<16xf32>,
        %swap3A_192 = arith.constant 1 : i32
        %swap3A_193 = arith.index_cast %swap3A_192 : i32 to index
        %swap3A_194 = arith.index_cast %multiple_of3A_187 : i32 to index
        %swap3A_195 = tpu.vector_load %arg14[%swap3A_193, %swap3A_194] {strides = array<i32>} : memref<24x1024xf32, #tpu.memory_space<vmem>>, vector<16xf32>,
        tpu.vector_store %arg14[%swap3A_193, %swap3A_194], %broadcast_in_dim3A_1 {strides = array<i32>} : memref<24x1024xf32, #tpu.memory_space<vmem>>, vector<16xf32>,
        %swap3A_196 = arith.constant 2 : i32
        %swap3A_197 = arith.index_cast %swap3A_196 : i32 to index
        %swap3A_198 = arith.index_cast %multiple_of3A_187 : i32 to index
        %swap3A_199 = tpu.vector_load %arg14[%swap3A_197, %swap3A_198] {strides = array<i32>} : memref<24x1024xf32, #tpu.memory_space<vmem>>, vector<16xf32>,
        tpu.vector_store %arg14[%swap3A_197, %swap3A_198], %broadcast_in_dim3A_1 {strides = array<i32>} : memref<24x1024xf32, #tpu.memory_space<vmem>>, vector<16xf32>,
        %swap3A_200 = arith.constant 3 : i32
        %swap3A_201 = arith.index_cast %swap3A_200 : i32 to index
        %swap3A_202 = arith.index_cast %multiple_of3A_187 : i32 to index
        %swap3A_203 = tpu.vector_load %arg14[%swap3A_201, %swap3A_202] {strides = array<i32>} : memref<24x1024xf32, #tpu.memory_space<vmem>>, vector<16xf32>,
        tpu.vector_store %arg14[%swap3A_201, %swap3A_202], %broadcast_in_dim3A_1 {strides = array<i32>} : memref<24x1024xf32, #tpu.memory_space<vmem>>, vector<16xf32>,
        %swap3A_204 = arith.constant 4 : i32
        %swap3A_205 = arith.index_cast %swap3A_204 : i32 to index
        %swap3A_206 = arith.index_cast %multiple_of3A_187 : i32 to index
        %swap3A_207 = tpu.vector_load %arg14[%swap3A_205, %swap3A_206] {strides = array<i32>} : memref<24x1024xf32, #tpu.memory_space<vmem>>, vector<16xf32>,
        tpu.vector_store %arg14[%swap3A_205, %swap3A_206], %broadcast_in_dim3A_1 {strides = array<i32>} : memref<24x1024xf32, #tpu.memory_space<vmem>>, vector<16xf32>,
        %swap3A_208 = arith.constant 5 : i32
        %swap3A_209 = arith.index_cast %swap3A_208 : i32 to index
        %swap3A_210 = arith.index_cast %multiple_of3A_187 : i32 to index
        %swap3A_211 = tpu.vector_load %arg14[%swap3A_209, %swap3A_210] {strides = array<i32>} : memref<24x1024xf32, #tpu.memory_space<vmem>>, vector<16xf32>,
        tpu.vector_store %arg14[%swap3A_209, %swap3A_210], %broadcast_in_dim3A_1 {strides = array<i32>} : memref<24x1024xf32, #tpu.memory_space<vmem>>, vector<16xf32>,
        %swap3A_212 = arith.constant 6 : i32
        %swap3A_213 = arith.index_cast %swap3A_212 : i32 to index
        %swap3A_214 = arith.index_cast %multiple_of3A_187 : i32 to index
        %swap3A_215 = tpu.vector_load %arg14[%swap3A_213, %swap3A_214] {strides = array<i32>} : memref<24x1024xf32, #tpu.memory_space<vmem>>, vector<16xf32>,
        tpu.vector_store %arg14[%swap3A_213, %swap3A_214], %broadcast_in_dim3A_1 {strides = array<i32>} : memref<24x1024xf32, #tpu.memory_space<vmem>>, vector<16xf32>,
        %swap3A_216 = arith.constant 7 : i32
        %swap3A_217 = arith.index_cast %swap3A_216 : i32 to index
        %swap3A_218 = arith.index_cast %multiple_of3A_187 : i32 to index
        %swap3A_219 = tpu.vector_load %arg14[%swap3A_217, %swap3A_218] {strides = array<i32>} : memref<24x1024xf32, #tpu.memory_space<vmem>>, vector<16xf32>,
        tpu.vector_store %arg14[%swap3A_217, %swap3A_218], %broadcast_in_dim3A_1 {strides = array<i32>} : memref<24x1024xf32, #tpu.memory_space<vmem>>, vector<16xf32>,
        %swap3A_220 = arith.constant 8 : i32
        %swap3A_221 = arith.index_cast %swap3A_220 : i32 to index
        %swap3A_222 = arith.index_cast %multiple_of3A_187 : i32 to index
        %swap3A_223 = tpu.vector_load %arg14[%swap3A_221, %swap3A_222] {strides = array<i32>} : memref<24x1024xf32, #tpu.memory_space<vmem>>, vector<16xf32>,
        tpu.vector_store %arg14[%swap3A_221, %swap3A_222], %broadcast_in_dim3A_1 {strides = array<i32>} : memref<24x1024xf32, #tpu.memory_space<vmem>>, vector<16xf32>,
        %swap3A_224 = arith.constant 9 : i32
        %swap3A_225 = arith.index_cast %swap3A_224 : i32 to index
        %swap3A_226 = arith.index_cast %multiple_of3A_187 : i32 to index
        %swap3A_227 = tpu.vector_load %arg14[%swap3A_225, %swap3A_226] {strides = array<i32>} : memref<24x1024xf32, #tpu.memory_space<vmem>>, vector<16xf32>,
        tpu.vector_store %arg14[%swap3A_225, %swap3A_226], %broadcast_in_dim3A_1 {strides = array<i32>} : memref<24x1024xf32, #tpu.memory_space<vmem>>, vector<16xf32>,
        %swap3A_228 = arith.constant 10 : i32
        %swap3A_229 = arith.index_cast %swap3A_228 : i32 to index
        %swap3A_230 = arith.index_cast %multiple_of3A_187 : i32 to index
        %swap3A_231 = tpu.vector_load %arg14[%swap3A_229, %swap3A_230] {strides = array<i32>} : memref<24x1024xf32, #tpu.memory_space<vmem>>, vector<16xf32>,
        tpu.vector_store %arg14[%swap3A_229, %swap3A_230], %broadcast_in_dim3A_1 {strides = array<i32>} : memref<24x1024xf32, #tpu.memory_space<vmem>>, vector<16xf32>,
        %swap3A_232 = arith.constant 11 : i32
        %swap3A_233 = arith.index_cast %swap3A_232 : i32 to index
        %swap3A_234 = arith.index_cast %multiple_of3A_187 : i32 to index
        %swap3A_235 = tpu.vector_load %arg14[%swap3A_233, %swap3A_234] {strides = array<i32>} : memref<24x1024xf32, #tpu.memory_space<vmem>>, vector<16xf32>,
        tpu.vector_store %arg14[%swap3A_233, %swap3A_234], %broadcast_in_dim3A_1 {strides = array<i32>} : memref<24x1024xf32, #tpu.memory_space<vmem>>, vector<16xf32>,
        %swap3A_236 = arith.constant 12 : i32
        %swap3A_237 = arith.index_cast %swap3A_236 : i32 to index
        %swap3A_238 = arith.index_cast %multiple_of3A_187 : i32 to index
        %swap3A_239 = tpu.vector_load %arg14[%swap3A_237, %swap3A_238] {strides = array<i32>} : memref<24x1024xf32, #tpu.memory_space<vmem>>, vector<16xf32>,
        tpu.vector_store %arg14[%swap3A_237, %swap3A_238], %broadcast_in_dim3A_1 {strides = array<i32>} : memref<24x1024xf32, #tpu.memory_space<vmem>>, vector<16xf32>,
        %swap3A_240 = arith.constant 13 : i32
        %swap3A_241 = arith.index_cast %swap3A_240 : i32 to index
        %swap3A_242 = arith.index_cast %multiple_of3A_187 : i32 to index
        %swap3A_243 = tpu.vector_load %arg14[%swap3A_241, %swap3A_242] {strides = array<i32>} : memref<24x1024xf32, #tpu.memory_space<vmem>>, vector<16xf32>,
        tpu.vector_store %arg14[%swap3A_241, %swap3A_242], %broadcast_in_dim3A_1 {strides = array<i32>} : memref<24x1024xf32, #tpu.memory_space<vmem>>, vector<16xf32>,
        %swap3A_244 = arith.constant 14 : i32
        %swap3A_245 = arith.index_cast %swap3A_244 : i32 to index
        %swap3A_246 = arith.index_cast %multiple_of3A_187 : i32 to index
        %swap3A_247 = tpu.vector_load %arg14[%swap3A_245, %swap3A_246] {strides = array<i32>} : memref<24x1024xf32, #tpu.memory_space<vmem>>, vector<16xf32>,
        tpu.vector_store %arg14[%swap3A_245, %swap3A_246], %broadcast_in_dim3A_1 {strides = array<i32>} : memref<24x1024xf32, #tpu.memory_space<vmem>>, vector<16xf32>,
        %swap3A_248 = arith.constant 15 : i32
        %swap3A_249 = arith.index_cast %swap3A_248 : i32 to index
        %swap3A_250 = arith.index_cast %multiple_of3A_187 : i32 to index
        %swap3A_251 = tpu.vector_load %arg14[%swap3A_249, %swap3A_250] {strides = array<i32>} : memref<24x1024xf32, #tpu.memory_space<vmem>>, vector<16xf32>,
        tpu.vector_store %arg14[%swap3A_249, %swap3A_250], %broadcast_in_dim3A_1 {strides = array<i32>} : memref<24x1024xf32, #tpu.memory_space<vmem>>, vector<16xf32>,
        %swap3A_252 = arith.constant 16 : i32
        %swap3A_253 = arith.index_cast %swap3A_252 : i32 to index
        %swap3A_254 = arith.index_cast %multiple_of3A_187 : i32 to index
        %swap3A_255 = tpu.vector_load %arg14[%swap3A_253, %swap3A_254] {strides = array<i32>} : memref<24x1024xf32, #tpu.memory_space<vmem>>, vector<16xf32>,
        tpu.vector_store %arg14[%swap3A_253, %swap3A_254], %broadcast_in_dim3A_1 {strides = array<i32>} : memref<24x1024xf32, #tpu.memory_space<vmem>>, vector<16xf32>,
        %swap3A_256 = arith.constant 17 : i32
        %swap3A_257 = arith.index_cast %swap3A_256 : i32 to index
        %swap3A_258 = arith.index_cast %multiple_of3A_187 : i32 to index
        %swap3A_259 = tpu.vector_load %arg14[%swap3A_257, %swap3A_258] {strides = array<i32>} : memref<24x1024xf32, #tpu.memory_space<vmem>>, vector<16xf32>,
        tpu.vector_store %arg14[%swap3A_257, %swap3A_258], %broadcast_in_dim3A_1 {strides = array<i32>} : memref<24x1024xf32, #tpu.memory_space<vmem>>, vector<16xf32>,
        %swap3A_260 = arith.constant 18 : i32
        %swap3A_261 = arith.index_cast %swap3A_260 : i32 to index
        %swap3A_262 = arith.index_cast %multiple_of3A_187 : i32 to index
        %swap3A_263 = tpu.vector_load %arg14[%swap3A_261, %swap3A_262] {strides = array<i32>} : memref<24x1024xf32, #tpu.memory_space<vmem>>, vector<16xf32>,
        tpu.vector_store %arg14[%swap3A_261, %swap3A_262], %broadcast_in_dim3A_1 {strides = array<i32>} : memref<24x1024xf32, #tpu.memory_space<vmem>>, vector<16xf32>,
        %swap3A_264 = arith.constant 19 : i32
        %swap3A_265 = arith.index_cast %swap3A_264 : i32 to index
        %swap3A_266 = arith.index_cast %multiple_of3A_187 : i32 to index
        %swap3A_267 = tpu.vector_load %arg14[%swap3A_265, %swap3A_266] {strides = array<i32>} : memref<24x1024xf32, #tpu.memory_space<vmem>>, vector<16xf32>,
        tpu.vector_store %arg14[%swap3A_265, %swap3A_266], %broadcast_in_dim3A_1 {strides = array<i32>} : memref<24x1024xf32, #tpu.memory_space<vmem>>, vector<16xf32>,
        %swap3A_268 = arith.constant 20 : i32
        %swap3A_269 = arith.index_cast %swap3A_268 : i32 to index
        %swap3A_270 = arith.index_cast %multiple_of3A_187 : i32 to index
        %swap3A_271 = tpu.vector_load %arg14[%swap3A_269, %swap3A_270] {strides = array<i32>} : memref<24x1024xf32, #tpu.memory_space<vmem>>, vector<16xf32>,
        tpu.vector_store %arg14[%swap3A_269, %swap3A_270], %broadcast_in_dim3A_1 {strides = array<i32>} : memref<24x1024xf32, #tpu.memory_space<vmem>>, vector<16xf32>,
        %swap3A_272 = arith.constant 21 : i32
        %swap3A_273 = arith.index_cast %swap3A_272 : i32 to index
        %swap3A_274 = arith.index_cast %multiple_of3A_187 : i32 to index
        %swap3A_275 = tpu.vector_load %arg14[%swap3A_273, %swap3A_274] {strides = array<i32>} : memref<24x1024xf32, #tpu.memory_space<vmem>>, vector<16xf32>,
        tpu.vector_store %arg14[%swap3A_273, %swap3A_274], %broadcast_in_dim3A_1 {strides = array<i32>} : memref<24x1024xf32, #tpu.memory_space<vmem>>, vector<16xf32>,
        %swap3A_276 = arith.constant 22 : i32
        %swap3A_277 = arith.index_cast %swap3A_276 : i32 to index
        %swap3A_278 = arith.index_cast %multiple_of3A_187 : i32 to index
        %swap3A_279 = tpu.vector_load %arg14[%swap3A_277, %swap3A_278] {strides = array<i32>} : memref<24x1024xf32, #tpu.memory_space<vmem>>, vector<16xf32>,
        tpu.vector_store %arg14[%swap3A_277, %swap3A_278], %broadcast_in_dim3A_1 {strides = array<i32>} : memref<24x1024xf32, #tpu.memory_space<vmem>>, vector<16xf32>,
        %swap3A_280 = arith.constant 23 : i32
        %swap3A_281 = arith.index_cast %swap3A_280 : i32 to index
        %swap3A_282 = arith.index_cast %multiple_of3A_187 : i32 to index
        %swap3A_283 = tpu.vector_load %arg14[%swap3A_281, %swap3A_282] {strides = array<i32>} : memref<24x1024xf32, #tpu.memory_space<vmem>>, vector<16xf32>,
        tpu.vector_store %arg14[%swap3A_281, %swap3A_282], %broadcast_in_dim3A_1 {strides = array<i32>} : memref<24x1024xf32, #tpu.memory_space<vmem>>, vector<16xf32>,
      }
      %scan3A_161 = arith.constant 48 : i32
      %scan3A_162 = arith.constant 0 : i32
      %scan3A_163 = arith.constant 0 : i32
      %scan3A_164 = arith.constant 42 : i32
      %scan3A_165 = arith.addi %scan3A_163, %scan3A_164 : i32
      %scan3A_166 = arith.constant 1 : i32
      scf.for %scan3A_184 = %scan3A_163 to %scan3A_165 step %scan3A_166  : i32 {
        %mul3A_185 = arith.constant 16 : i32
        %mul3A_186 = arith.muli %scan3A_184, %mul3A_185 : i32
        %multiple_of3A_187 = tpu.assume_multiple %mul3A_186, 16 : i32
        %swap3A_188 = arith.constant 0 : i32
        %swap3A_189 = arith.index_cast %swap3A_188 : i32 to index
        %swap3A_190 = arith.index_cast %multiple_of3A_187 : i32 to index
        %swap3A_191 = tpu.vector_load %arg14[%swap3A_189, %swap3A_190] {strides = array<i32>} : memref<24x1024xf32, #tpu.memory_space<vmem>>, vector<16xf32>,
        tpu.vector_store %arg14[%swap3A_189, %swap3A_190], %broadcast_in_dim3A_1 {strides = array<i32>} : memref<24x1024xf32, #tpu.memory_space<vmem>>, vector<16xf32>,
        %swap3A_192 = arith.constant 1 : i32
        %swap3A_193 = arith.index_cast %swap3A_192 : i32 to index
        %swap3A_194 = arith.index_cast %multiple_of3A_187 : i32 to index
        %swap3A_195 = tpu.vector_load %arg14[%swap3A_193, %swap3A_194] {strides = array<i32>} : memref<24x1024xf32, #tpu.memory_space<vmem>>, vector<16xf32>,
        tpu.vector_store %arg14[%swap3A_193, %swap3A_194], %broadcast_in_dim3A_1 {strides = array<i32>} : memref<24x1024xf32, #tpu.memory_space<vmem>>, vector<16xf32>,
        %swap3A_196 = arith.constant 2 : i32
        %swap3A_197 = arith.index_cast %swap3A_196 : i32 to index
        %swap3A_198 = arith.index_cast %multiple_of3A_187 : i32 to index
        %swap3A_199 = tpu.vector_load %arg14[%swap3A_197, %swap3A_198] {strides = array<i32>} : memref<24x1024xf32, #tpu.memory_space<vmem>>, vector<16xf32>,
        tpu.vector_store %arg14[%swap3A_197, %swap3A_198], %broadcast_in_dim3A_1 {strides = array<i32>} : memref<24x1024xf32, #tpu.memory_space<vmem>>, vector<16xf32>,
        %swap3A_200 = arith.constant 3 : i32
        %swap3A_201 = arith.index_cast %swap3A_200 : i32 to index
        %swap3A_202 = arith.index_cast %multiple_of3A_187 : i32 to index
        %swap3A_203 = tpu.vector_load %arg14[%swap3A_201, %swap3A_202] {strides = array<i32>} : memref<24x1024xf32, #tpu.memory_space<vmem>>, vector<16xf32>,
        tpu.vector_store %arg14[%swap3A_201, %swap3A_202], %broadcast_in_dim3A_1 {strides = array<i32>} : memref<24x1024xf32, #tpu.memory_space<vmem>>, vector<16xf32>,
        %swap3A_204 = arith.constant 4 : i32
        %swap3A_205 = arith.index_cast %swap3A_204 : i32 to index
        %swap3A_206 = arith.index_cast %multiple_of3A_187 : i32 to index
        %swap3A_207 = tpu.vector_load %arg14[%swap3A_205, %swap3A_206] {strides = array<i32>} : memref<24x1024xf32, #tpu.memory_space<vmem>>, vector<16xf32>,
        tpu.vector_store %arg14[%swap3A_205, %swap3A_206], %broadcast_in_dim3A_1 {strides = array<i32>} : memref<24x1024xf32, #tpu.memory_space<vmem>>, vector<16xf32>,
        %swap3A_208 = arith.constant 5 : i32
        %swap3A_209 = arith.index_cast %swap3A_208 : i32 to index
        %swap3A_210 = arith.index_cast %multiple_of3A_187 : i32 to index
        %swap3A_211 = tpu.vector_load %arg14[%swap3A_209, %swap3A_210] {strides = array<i32>} : memref<24x1024xf32, #tpu.memory_space<vmem>>, vector<16xf32>,
        tpu.vector_store %arg14[%swap3A_209, %swap3A_210], %broadcast_in_dim3A_1 {strides = array<i32>} : memref<24x1024xf32, #tpu.memory_space<vmem>>, vector<16xf32>,
        %swap3A_212 = arith.constant 6 : i32
        %swap3A_213 = arith.index_cast %swap3A_212 : i32 to index
        %swap3A_214 = arith.index_cast %multiple_of3A_187 : i32 to index
        %swap3A_215 = tpu.vector_load %arg14[%swap3A_213, %swap3A_214] {strides = array<i32>} : memref<24x1024xf32, #tpu.memory_space<vmem>>, vector<16xf32>,
        tpu.vector_store %arg14[%swap3A_213, %swap3A_214], %broadcast_in_dim3A_1 {strides = array<i32>} : memref<24x1024xf32, #tpu.memory_space<vmem>>, vector<16xf32>,
        %swap3A_216 = arith.constant 7 : i32
        %swap3A_217 = arith.index_cast %swap3A_216 : i32 to index
        %swap3A_218 = arith.index_cast %multiple_of3A_187 : i32 to index
        %swap3A_219 = tpu.vector_load %arg14[%swap3A_217, %swap3A_218] {strides = array<i32>} : memref<24x1024xf32, #tpu.memory_space<vmem>>, vector<16xf32>,
        tpu.vector_store %arg14[%swap3A_217, %swap3A_218], %broadcast_in_dim3A_1 {strides = array<i32>} : memref<24x1024xf32, #tpu.memory_space<vmem>>, vector<16xf32>,
        %swap3A_220 = arith.constant 8 : i32
        %swap3A_221 = arith.index_cast %swap3A_220 : i32 to index
        %swap3A_222 = arith.index_cast %multiple_of3A_187 : i32 to index
        %swap3A_223 = tpu.vector_load %arg14[%swap3A_221, %swap3A_222] {strides = array<i32>} : memref<24x1024xf32, #tpu.memory_space<vmem>>, vector<16xf32>,
        tpu.vector_store %arg14[%swap3A_221, %swap3A_222], %broadcast_in_dim3A_1 {strides = array<i32>} : memref<24x1024xf32, #tpu.memory_space<vmem>>, vector<16xf32>,
        %swap3A_224 = arith.constant 9 : i32
        %swap3A_225 = arith.index_cast %swap3A_224 : i32 to index
        %swap3A_226 = arith.index_cast %multiple_of3A_187 : i32 to index
        %swap3A_227 = tpu.vector_load %arg14[%swap3A_225, %swap3A_226] {strides = array<i32>} : memref<24x1024xf32, #tpu.memory_space<vmem>>, vector<16xf32>,
        tpu.vector_store %arg14[%swap3A_225, %swap3A_226], %broadcast_in_dim3A_1 {strides = array<i32>} : memref<24x1024xf32, #tpu.memory_space<vmem>>, vector<16xf32>,
        %swap3A_228 = arith.constant 10 : i32
        %swap3A_229 = arith.index_cast %swap3A_228 : i32 to index
        %swap3A_230 = arith.index_cast %multiple_of3A_187 : i32 to index
        %swap3A_231 = tpu.vector_load %arg14[%swap3A_229, %swap3A_230] {strides = array<i32>} : memref<24x1024xf32, #tpu.memory_space<vmem>>, vector<16xf32>,
        tpu.vector_store %arg14[%swap3A_229, %swap3A_230], %broadcast_in_dim3A_1 {strides = array<i32>} : memref<24x1024xf32, #tpu.memory_space<vmem>>, vector<16xf32>,
        %swap3A_232 = arith.constant 11 : i32
        %swap3A_233 = arith.index_cast %swap3A_232 : i32 to index
        %swap3A_234 = arith.index_cast %multiple_of3A_187 : i32 to index
        %swap3A_235 = tpu.vector_load %arg14[%swap3A_233, %swap3A_234] {strides = array<i32>} : memref<24x1024xf32, #tpu.memory_space<vmem>>, vector<16xf32>,
        tpu.vector_store %arg14[%swap3A_233, %swap3A_234], %broadcast_in_dim3A_1 {strides = array<i32>} : memref<24x1024xf32, #tpu.memory_space<vmem>>, vector<16xf32>,
        %swap3A_236 = arith.constant 12 : i32
        %swap3A_237 = arith.index_cast %swap3A_236 : i32 to index
        %swap3A_238 = arith.index_cast %multiple_of3A_187 : i32 to index
        %swap3A_239 = tpu.vector_load %arg14[%swap3A_237, %swap3A_238] {strides = array<i32>} : memref<24x1024xf32, #tpu.memory_space<vmem>>, vector<16xf32>,
        tpu.vector_store %arg14[%swap3A_237, %swap3A_238], %broadcast_in_dim3A_1 {strides = array<i32>} : memref<24x1024xf32, #tpu.memory_space<vmem>>, vector<16xf32>,
        %swap3A_240 = arith.constant 13 : i32
        %swap3A_241 = arith.index_cast %swap3A_240 : i32 to index
        %swap3A_242 = arith.index_cast %multiple_of3A_187 : i32 to index
        %swap3A_243 = tpu.vector_load %arg14[%swap3A_241, %swap3A_242] {strides = array<i32>} : memref<24x1024xf32, #tpu.memory_space<vmem>>, vector<16xf32>,
        tpu.vector_store %arg14[%swap3A_241, %swap3A_242], %broadcast_in_dim3A_1 {strides = array<i32>} : memref<24x1024xf32, #tpu.memory_space<vmem>>, vector<16xf32>,
        %swap3A_244 = arith.constant 14 : i32
        %swap3A_245 = arith.index_cast %swap3A_244 : i32 to index
        %swap3A_246 = arith.index_cast %multiple_of3A_187 : i32 to index
        %swap3A_247 = tpu.vector_load %arg14[%swap3A_245, %swap3A_246] {strides = array<i32>} : memref<24x1024xf32, #tpu.memory_space<vmem>>, vector<16xf32>,
        tpu.vector_store %arg14[%swap3A_245, %swap3A_246], %broadcast_in_dim3A_1 {strides = array<i32>} : memref<24x1024xf32, #tpu.memory_space<vmem>>, vector<16xf32>,
        %swap3A_248 = arith.constant 15 : i32
        %swap3A_249 = arith.index_cast %swap3A_248 : i32 to index
        %swap3A_250 = arith.index_cast %multiple_of3A_187 : i32 to index
        %swap3A_251 = tpu.vector_load %arg14[%swap3A_249, %swap3A_250] {strides = array<i32>} : memref<24x1024xf32, #tpu.memory_space<vmem>>, vector<16xf32>,
        tpu.vector_store %arg14[%swap3A_249, %swap3A_250], %broadcast_in_dim3A_1 {strides = array<i32>} : memref<24x1024xf32, #tpu.memory_space<vmem>>, vector<16xf32>,
        %swap3A_252 = arith.constant 16 : i32
        %swap3A_253 = arith.index_cast %swap3A_252 : i32 to index
        %swap3A_254 = arith.index_cast %multiple_of3A_187 : i32 to index
        %swap3A_255 = tpu.vector_load %arg14[%swap3A_253, %swap3A_254] {strides = array<i32>} : memref<24x1024xf32, #tpu.memory_space<vmem>>, vector<16xf32>,
        tpu.vector_store %arg14[%swap3A_253, %swap3A_254], %broadcast_in_dim3A_1 {strides = array<i32>} : memref<24x1024xf32, #tpu.memory_space<vmem>>, vector<16xf32>,
        %swap3A_256 = arith.constant 17 : i32
        %swap3A_257 = arith.index_cast %swap3A_256 : i32 to index
        %swap3A_258 = arith.index_cast %multiple_of3A_187 : i32 to index
        %swap3A_259 = tpu.vector_load %arg14[%swap3A_257, %swap3A_258] {strides = array<i32>} : memref<24x1024xf32, #tpu.memory_space<vmem>>, vector<16xf32>,
        tpu.vector_store %arg14[%swap3A_257, %swap3A_258], %broadcast_in_dim3A_1 {strides = array<i32>} : memref<24x1024xf32, #tpu.memory_space<vmem>>, vector<16xf32>,
        %swap3A_260 = arith.constant 18 : i32
        %swap3A_261 = arith.index_cast %swap3A_260 : i32 to index
        %swap3A_262 = arith.index_cast %multiple_of3A_187 : i32 to index
        %swap3A_263 = tpu.vector_load %arg14[%swap3A_261, %swap3A_262] {strides = array<i32>} : memref<24x1024xf32, #tpu.memory_space<vmem>>, vector<16xf32>,
        tpu.vector_store %arg14[%swap3A_261, %swap3A_262], %broadcast_in_dim3A_1 {strides = array<i32>} : memref<24x1024xf32, #tpu.memory_space<vmem>>, vector<16xf32>,
        %swap3A_264 = arith.constant 19 : i32
        %swap3A_265 = arith.index_cast %swap3A_264 : i32 to index
        %swap3A_266 = arith.index_cast %multiple_of3A_187 : i32 to index
        %swap3A_267 = tpu.vector_load %arg14[%swap3A_265, %swap3A_266] {strides = array<i32>} : memref<24x1024xf32, #tpu.memory_space<vmem>>, vector<16xf32>,
        tpu.vector_store %arg14[%swap3A_265, %swap3A_266], %broadcast_in_dim3A_1 {strides = array<i32>} : memref<24x1024xf32, #tpu.memory_space<vmem>>, vector<16xf32>,
        %swap3A_268 = arith.constant 20 : i32
        %swap3A_269 = arith.index_cast %swap3A_268 : i32 to index
        %swap3A_270 = arith.index_cast %multiple_of3A_187 : i32 to index
        %swap3A_271 = tpu.vector_load %arg14[%swap3A_269, %swap3A_270] {strides = array<i32>} : memref<24x1024xf32, #tpu.memory_space<vmem>>, vector<16xf32>,
        tpu.vector_store %arg14[%swap3A_269, %swap3A_270], %broadcast_in_dim3A_1 {strides = array<i32>} : memref<24x1024xf32, #tpu.memory_space<vmem>>, vector<16xf32>,
        %swap3A_272 = arith.constant 21 : i32
        %swap3A_273 = arith.index_cast %swap3A_272 : i32 to index
        %swap3A_274 = arith.index_cast %multiple_of3A_187 : i32 to index
        %swap3A_275 = tpu.vector_load %arg14[%swap3A_273, %swap3A_274] {strides = array<i32>} : memref<24x1024xf32, #tpu.memory_space<vmem>>, vector<16xf32>,
        tpu.vector_store %arg14[%swap3A_273, %swap3A_274], %broadcast_in_dim3A_1 {strides = array<i32>} : memref<24x1024xf32, #tpu.memory_space<vmem>>, vector<16xf32>,
        %swap3A_276 = arith.constant 22 : i32
        %swap3A_277 = arith.index_cast %swap3A_276 : i32 to index
        %swap3A_278 = arith.index_cast %multiple_of3A_187 : i32 to index
        %swap3A_279 = tpu.vector_load %arg14[%swap3A_277, %swap3A_278] {strides = array<i32>} : memref<24x1024xf32, #tpu.memory_space<vmem>>, vector<16xf32>,
        tpu.vector_store %arg14[%swap3A_277, %swap3A_278], %broadcast_in_dim3A_1 {strides = array<i32>} : memref<24x1024xf32, #tpu.memory_space<vmem>>, vector<16xf32>,
        %swap3A_280 = arith.constant 23 : i32
        %swap3A_281 = arith.index_cast %swap3A_280 : i32 to index
        %swap3A_282 = arith.index_cast %multiple_of3A_187 : i32 to index
        %swap3A_283 = tpu.vector_load %arg14[%swap3A_281, %swap3A_282] {strides = array<i32>} : memref<24x1024xf32, #tpu.memory_space<vmem>>, vector<16xf32>,
        tpu.vector_store %arg14[%swap3A_281, %swap3A_282], %broadcast_in_dim3A_1 {strides = array<i32>} : memref<24x1024xf32, #tpu.memory_space<vmem>>, vector<16xf32>,
        %get3A_284 = arith.index_cast %multiple_of3A_187 : i32 to index
        %get3A_285 = tpu.vector_load %arg9[%get3A_284] {strides = array<i32>} : memref<1024xi32, #tpu.memory_space<vmem>>, vector<16xi32>,
        %gather3A = tpu.vector_load_idx %arg10[%get3A_285] : memref<192xi32, #tpu.memory_space<vmem>>[vector<16xi32>], vector<16xi32>,
        %add3A_286 = arith.constant 96 : i32
        %add3A_287 = vector.broadcast %add3A_286 : i32 to vector<16xi32>
        %add3A_288 = arith.addi %get3A_285, %add3A_287 : vector<16xi32>
        %gather3A_289 = tpu.vector_load_idx %arg10[%add3A_288] : memref<192xi32, #tpu.memory_space<vmem>>[vector<16xi32>], vector<16xi32>,
        %add3A_290 = vector.broadcast %multiple_of3A_187 : i32 to vector<16xi32>
        %add3A_291 = arith.addi %add3A_290, %iota3A : vector<16xi32>
        tpu.vector_store_idx %arg14[%gather3A, %add3A_291], %broadcast_in_dim3A_3 : memref<24x1024xf32, #tpu.memory_space<vmem>>[vector<16xi32>, vector<16xi32>], vector<16xf32>,
        tpu.vector_store_idx %arg14[%gather3A_289, %add3A_291], %broadcast_in_dim3A_3 : memref<24x1024xf32, #tpu.memory_space<vmem>>[vector<16xi32>, vector<16xi32>], vector<16xf32>,
      }
      %scan3A_167 = arith.constant 42 : i32
      %sub3A = arith.constant 1 : i32
      %sub3A_168 = arith.subi %add3A, %sub3A : i32
      %add3A_169 = arith.constant 97 : i32
      %add3A_170 = arith.addi %sub3A_168, %add3A_169 : i32
      %mul3A_171 = arith.constant 1024 : i32
      %mul3A_172 = arith.muli %add3A_170, %mul3A_171 : i32
      %multiple_of3A_173 = tpu.assume_multiple %mul3A_172, 128 : i32
      %dma_start3A_174 = arith.constant 0 : i32
      %dma_start3A_175 = arith.constant 0 : i32
      %dma_start3A_176 = tpu.memref_slice %arg14[%dma_start3A_174, %dma_start3A_175] : memref<24x1024xf32, #tpu.memory_space<vmem>> -> memref<24x768xf32, #tpu.memory_space<vmem>>
      %dma_start3A_177 = arith.constant 0 : i32
      %dma_start3A_178 = tpu.memref_slice %arg5[%dma_start3A_177, %multiple_of3A_173] : memref<24x100000xf32, #tpu.memory_space<hbm>> -> memref<24x768xf32, #tpu.memory_space<hbm>>
      %dma_start3A_179 = arith.constant 0 : i32
      %dma_start3A_180 = tpu.memref_slice %arg5[%dma_start3A_179, %multiple_of3A_173] : memref<24x100000xf32, #tpu.memory_space<hbm>> -> memref<24x768xf32, #tpu.memory_space<hbm>>
      %dma_start3A_181 = arith.constant 0 : i32
      %dma_start3A_182 = arith.constant 0 : i32
      %dma_start3A_183 = tpu.memref_slice %arg14[%dma_start3A_181, %dma_start3A_182] : memref<24x1024xf32, #tpu.memory_space<vmem>> -> memref<24x768xf32, #tpu.memory_space<vmem>>
      tpu.enqueue_dma source(%dma_start3A_183 : memref<24x768xf32, #tpu.memory_space<vmem>>) target(%dma_start3A_180 : memref<24x768xf32, #tpu.memory_space<hbm>>) target_semaphore(%arg19 : memref<!tpu.dma_semaphore, #tpu.memory_space<semaphore_mem>>)
    } else {
    }
    %dma_wait3A_126 = arith.constant 0 : i32
    %dma_wait3A_127 = tpu.memref_slice %arg5[%dma_wait3A_126, %multiple_of3A] : memref<24x100000xf32, #tpu.memory_space<hbm>> -> memref<24x1024xf32, #tpu.memory_space<hbm>>
    %dma_wait3A_128 = arith.constant 0 : i32
    %dma_wait3A_129 = tpu.memref_slice %arg5[%dma_wait3A_128, %multiple_of3A] : memref<24x100000xf32, #tpu.memory_space<hbm>> -> memref<24x1024xf32, #tpu.memory_space<hbm>>
    tpu.wait_dma2 semaphore(%arg19 : memref<!tpu.dma_semaphore, #tpu.memory_space<semaphore_mem>>) src(%arg11 : memref<24x1024xf32, #tpu.memory_space<vmem>>) dst(%dma_wait3A_129 : memref<24x1024xf32, #tpu.memory_space<hbm>>)
    %dma_wait3A_130 = arith.constant 0 : i32
    %dma_wait3A_131 = tpu.memref_slice %arg5[%dma_wait3A_130, %multiple_of3A_12] : memref<24x100000xf32, #tpu.memory_space<hbm>> -> memref<24x1024xf32, #tpu.memory_space<hbm>>
    %dma_wait3A_132 = arith.constant 0 : i32
    %dma_wait3A_133 = tpu.memref_slice %arg5[%dma_wait3A_132, %multiple_of3A_12] : memref<24x100000xf32, #tpu.memory_space<hbm>> -> memref<24x1024xf32, #tpu.memory_space<hbm>>
    tpu.wait_dma2 semaphore(%arg19 : memref<!tpu.dma_semaphore, #tpu.memory_space<semaphore_mem>>) src(%arg12 : memref<24x1024xf32, #tpu.memory_space<vmem>>) dst(%dma_wait3A_133 : memref<24x1024xf32, #tpu.memory_space<hbm>>)
    %dma_wait3A_134 = arith.constant 0 : i32
    %dma_wait3A_135 = tpu.memref_slice %arg5[%dma_wait3A_134, %multiple_of3A_17] : memref<24x100000xf32, #tpu.memory_space<hbm>> -> memref<24x1024xf32, #tpu.memory_space<hbm>>
    %dma_wait3A_136 = arith.constant 0 : i32
    %dma_wait3A_137 = tpu.memref_slice %arg5[%dma_wait3A_136, %multiple_of3A_17] : memref<24x100000xf32, #tpu.memory_space<hbm>> -> memref<24x1024xf32, #tpu.memory_space<hbm>>
    tpu.wait_dma2 semaphore(%arg19 : memref<!tpu.dma_semaphore, #tpu.memory_space<semaphore_mem>>) src(%arg13 : memref<24x1024xf32, #tpu.memory_space<vmem>>) dst(%dma_wait3A_137 : memref<24x1024xf32, #tpu.memory_space<hbm>>)
    %eq3A_138 = arith.constant 0 : i32
    %eq3A_139 = arith.cmpi eq, %add3A, %eq3A_138 : i32
    %convert_element_type3A_140 = arith.extui %eq3A_139 : i1 to i32
    %cond3A_141 = arith.constant 0 : i32
    %cond3A_142 = arith.cmpi ne, %convert_element_type3A_140, %cond3A_141 : i32
    scf.if %cond3A_142 {
      %dma_wait3A_148 = arith.constant 0 : i32
      %dma_wait3A_149 = arith.constant 98304 : i32
      %dma_wait3A_150 = tpu.memref_slice %arg5[%dma_wait3A_148, %dma_wait3A_149] : memref<24x100000xf32, #tpu.memory_space<hbm>> -> memref<24x1024xf32, #tpu.memory_space<hbm>>
      %dma_wait3A_151 = arith.constant 0 : i32
      %dma_wait3A_152 = arith.constant 98304 : i32
      %dma_wait3A_153 = tpu.memref_slice %arg5[%dma_wait3A_151, %dma_wait3A_152] : memref<24x100000xf32, #tpu.memory_space<hbm>> -> memref<24x1024xf32, #tpu.memory_space<hbm>>
      tpu.wait_dma2 semaphore(%arg19 : memref<!tpu.dma_semaphore, #tpu.memory_space<semaphore_mem>>) src(%arg14 : memref<24x1024xf32, #tpu.memory_space<vmem>>) dst(%dma_wait3A_153 : memref<24x1024xf32, #tpu.memory_space<hbm>>)
    } else {
    }
    %eq3A_143 = arith.constant 1 : i32
    %eq3A_144 = arith.cmpi eq, %add3A, %eq3A_143 : i32
    %convert_element_type3A_145 = arith.extui %eq3A_144 : i1 to i32
    %cond3A_146 = arith.constant 0 : i32
    %cond3A_147 = arith.cmpi ne, %convert_element_type3A_145, %cond3A_146 : i32
    scf.if %cond3A_147 {
      %sub3A = arith.constant 1 : i32
      %sub3A_148 = arith.subi %add3A, %sub3A : i32
      %add3A_149 = arith.constant 97 : i32
      %add3A_150 = arith.addi %sub3A_148, %add3A_149 : i32
      %mul3A_151 = arith.constant 1024 : i32
      %mul3A_152 = arith.muli %add3A_150, %mul3A_151 : i32
      %multiple_of3A_153 = tpu.assume_multiple %mul3A_152, 128 : i32
      %dma_wait3A_154 = arith.constant 0 : i32
      %dma_wait3A_155 = arith.constant 0 : i32
      %dma_wait3A_156 = tpu.memref_slice %arg14[%dma_wait3A_154, %dma_wait3A_155] : memref<24x1024xf32, #tpu.memory_space<vmem>> -> memref<24x768xf32, #tpu.memory_space<vmem>>
      %dma_wait3A_157 = arith.constant 0 : i32
      %dma_wait3A_158 = tpu.memref_slice %arg5[%dma_wait3A_157, %multiple_of3A_153] : memref<24x100000xf32, #tpu.memory_space<hbm>> -> memref<24x768xf32, #tpu.memory_space<hbm>>
      %dma_wait3A_159 = arith.constant 0 : i32
      %dma_wait3A_160 = tpu.memref_slice %arg5[%dma_wait3A_159, %multiple_of3A_153] : memref<24x100000xf32, #tpu.memory_space<hbm>> -> memref<24x768xf32, #tpu.memory_space<hbm>>
      %dma_wait3A_161 = arith.constant 0 : i32
      %dma_wait3A_162 = arith.constant 0 : i32
      %dma_wait3A_163 = tpu.memref_slice %arg14[%dma_wait3A_161, %dma_wait3A_162] : memref<24x1024xf32, #tpu.memory_space<vmem>> -> memref<24x768xf32, #tpu.memory_space<vmem>>
      tpu.wait_dma2 semaphore(%arg19 : memref<!tpu.dma_semaphore, #tpu.memory_space<semaphore_mem>>) src(%dma_wait3A_163 : memref<24x768xf32, #tpu.memory_space<vmem>>) dst(%dma_wait3A_160 : memref<24x768xf32, #tpu.memory_space<hbm>>)
    } else {
    }
    return
  }
}

</mosaic_0001>

<sc_bundles>
// kernel: kernel.3.cloned.1.call-start
scs
__scs_entry_jumppad:
0x0: {  	(pc) =	sbr.rel $0x88, $3  }
0x1: {  	(tag) =	ssettag $0x0;
	lr =	simm.s32 $0x1  }
0x2: {  	[smem:$0x3F9E] =	sst lr;
	_ =	strace $0xD0000000  }
0x3: {  	_ = 	snop  }
0x4: {  	_ = 	snop  }
0x5: {  	_ = 	snop  }
0x6: {  	_ = 	snop  }
0x7: {  	_ = 	snop  }
__scs_overlays_trampoline_lowered:
0x8: {  	[smem:$0x3FAD] =	sst s0  }
0x9: {  	[smem:$0x3FAE] =	sst s1  }
0xa: {  	[smem:$0x3FAF] =	sst s2  }
0xb: {  	[smem:$0x3FB0] =	sst s3  }
0xc: {  	[smem:$0x3FB1] =	sst s4  }
0xd: {  	[smem:$0x3FB2] =	sst s5  }
0xe: {  	[smem:$0x3FB3] =	sst s6  }
0xf: {  	[smem:$0x3FB4] =	sst s7  }
0x10: {  	[smem:$0x3FB5] =	sst s8  }
0x11: {  	[smem:$0x3FB6] =	sst s9;
	s0 =	simm.s32 @!p0 $0x0  }
0x12: {  	s1 =	sld [smem:$0x3F9C];
	s0 =	simm.s32 @p0 $0x1  }
0x13: {  	[smem:$0x3FB7] =	sst s0;
	s0 =	simm.s32 @!p1 $0x0  }
0x14: {  	s2 =	sld [smem:$0x3F9B];
	s0 =	simm.s32 @p1 $0x1  }
0x15: {  	[smem:$0x3FB8] =	sst s0;
	s0 =	simm.s32 @!p2 $0x0  }
0x16: {  	s3 =	sld [smem:$0x3FDB];
	s0 =	simm.s32 @p2 $0x1  }
0x17: {  	s4 =	simm.s32 $0x1BF5;
	[smem:$0x3FBA] =	sst s0  }
0x18: {  	s0 =	sld [smem:$0x3F9D];
	_ =	swait.ge [sflag:s4], $0x0  }
0x19: {  	s7 =	sld [smem:$0x3F9E]  }
0x1a: {  	s8 =	sadd.s32 $0xFFFFE003, lr  }
0x1b: {  	s9 =	sadd.s32 $0xFFFFFEF7, lr;
	s5 =	simm.s32 $0xFFFFFFFF;
	p2 =	slt.u32 s8, $0xFFFFF086  }
0x1c: {  	p1 =	slt.u32 s9, $0xF7A;
	s5 =	simm.s32 @!p2 $0x0  }
0x1d: {  	s5 =	simm.s32 @p1 $0x1;
	p0 =	seq.s32 s7, s2  }
0x1e: {  	s7 =	smul.u32 @!p0 $0xF7A, s2;
	p2 =	seq.s32 @!p0 s5, $0x0  }
0x1f: {  	s9 =	smul.u32 $0xF7A, s1;
	s8 =	simm.s32 @!p0 $0x1BF5;
	p2 =	por !p2, p0  }
0x20: {  	[sflag:s8] =	ssyncset.s32 @!p0 $0xFFFFF086;
	s6 =	sadd.s32 @!p0 s3, s7;
	s7 =	simm.s32 @!p0 $0x108  }
0x21: {  	s3 =	sadd.s32 s3, s9;
	s6 =	sadd.s32 @!p0 $0x88, s6;
	s7 =	simm.s32 @p2 $0x1082  }
0x22: {  	[simem:s7], [sflag:s8] =	dma.local @!p0 [hbm:s6], $0xF7A  }
0x23: {  	s9 =	sor.u32 $0xD0000000, s2;
	s6 =	simm.s32 $0x108;
	_ =	swait.ge @!p0 [sflag:s8], $0x0  }
0x24: {  	s3 =	sadd.s32 $0x88, s3;
	s6 =	simm.s32 @!p1 $0x1082;
	[sflag:s4] =	ssyncset.s32 $0xFFFFF086  }
0x25: {  	[simem:s6], [sflag:s4] =	dma.local [hbm:s3], $0xF7A  }
0x26: {  	[smem:$0x3F9E] =	sst s1;
	(tag) =	ssettag s2;
	_ =	strace s9  }
0x27: {  	s1 =	sld [smem:$0x3FAE]  }
0x28: {  	s2 =	sld [smem:$0x3FAF]  }
0x29: {  	s4 =	sld [smem:$0x3FB1]  }
0x2a: {  	p0 =	seq.s32 s5, $0x0;
	s5 =	sld [smem:$0x3FB2]  }
0x2b: {  	s6 =	sld [smem:$0x3FB3]  }
0x2c: {  	s7 =	sld [smem:$0x3FB4]  }
0x2d: {  	s3 =	simm.s32 $0x108;
	s8 =	sld [smem:$0x3FB5]  }
0x2e: {  	s3 =	simm.s32 @!p0 $0x1082;
	s9 =	sld [smem:$0x3FB6]  }
0x2f: {  	lr =	sadd.s32 s0, s3;
	s0 =	sld [smem:$0x3FAD]  }
0x30: {  	s3 =	sld [smem:$0x3FB0]  }
0x31: {  	[smem:$0x3FB9] =	sst s10  }
0x32: {  	s10 =	sld [smem:$0x3FB7];
	_ =	sdelay $0x3  }
0x33: {  	p0 =	seq.s32 s10, $0x1;
	s10 =	sld [smem:$0x3FB9];
	_ =	sdelay $0x3  }
0x34: {  	[smem:$0x3FB9] =	sst s10  }
0x35: {  	s10 =	sld [smem:$0x3FB8];
	_ =	sdelay $0x3  }
0x36: {  	p1 =	seq.s32 s10, $0x1;
	s10 =	sld [smem:$0x3FB9];
	_ =	sdelay $0x3  }
0x37: {  	[smem:$0x3FB9] =	sst s10  }
0x38: {  	s10 =	sld [smem:$0x3FBA]  }
0x39: {  	_ = 	snop;
	(pc) =	sbr.ind lr, $3  }
0x3a: {  	_ = 	snop  }
0x3b: {  	_ = 	snop  }
0x3c: {  	p2 =	seq.s32 s10, $0x1;
	s10 =	sld [smem:$0x3FB9]  }
0x3d: {  	_ =	shalt  }
0x3e: {  	_ =	shalt  }
0x3f: {  	_ =	shalt  }
0x40: {  	_ =	shalt  }
0x41: {  	_ =	shalt  }
0x42: {  	_ =	shalt  }
0x43: {  	_ =	shalt  }
0x44: {  	_ =	shalt  }
0x45: {  	_ =	shalt  }
0x46: {  	_ =	shalt  }
0x47: {  	_ =	shalt  }
0x48: {  	_ =	shalt  }
0x49: {  	_ =	shalt  }
0x4a: {  	_ =	shalt  }
0x4b: {  	_ =	shalt  }
0x4c: {  	_ =	shalt  }
0x4d: {  	_ =	shalt  }
0x4e: {  	_ =	shalt  }
0x4f: {  	_ =	shalt  }
0x50: {  	_ =	shalt  }
0x51: {  	_ =	shalt  }
0x52: {  	_ =	shalt  }
0x53: {  	_ =	shalt  }
0x54: {  	_ =	shalt  }
0x55: {  	_ =	shalt  }
0x56: {  	_ =	shalt  }
0x57: {  	_ =	shalt  }
0x58: {  	_ =	shalt  }
0x59: {  	_ =	shalt  }
0x5a: {  	_ =	shalt  }
0x5b: {  	_ =	shalt  }
0x5c: {  	_ =	shalt  }
0x5d: {  	_ =	shalt  }
0x5e: {  	_ =	shalt  }
0x5f: {  	_ =	shalt  }
0x60: {  	_ =	shalt  }
0x61: {  	_ =	shalt  }
0x62: {  	_ =	shalt  }
0x63: {  	_ =	shalt  }
0x64: {  	_ =	shalt  }
0x65: {  	_ =	shalt  }
0x66: {  	_ =	shalt  }
0x67: {  	_ =	shalt  }
0x68: {  	_ =	shalt  }
0x69: {  	_ =	shalt  }
0x6a: {  	_ =	shalt  }
0x6b: {  	_ =	shalt  }
0x6c: {  	_ =	shalt  }
0x6d: {  	_ =	shalt  }
0x6e: {  	_ =	shalt  }
0x6f: {  	_ =	shalt  }
0x70: {  	_ =	shalt  }
0x71: {  	_ =	shalt  }
0x72: {  	_ =	shalt  }
0x73: {  	_ =	shalt  }
0x74: {  	_ =	shalt  }
0x75: {  	_ =	shalt  }
0x76: {  	_ =	shalt  }
0x77: {  	_ =	shalt  }
0x78: {  	_ =	shalt  }
0x79: {  	_ =	shalt  }
0x7a: {  	_ =	shalt  }
0x7b: {  	_ =	shalt  }
0x7c: {  	_ =	shalt  }
0x7d: {  	_ =	shalt  }
0x7e: {  	_ =	shalt  }
0x7f: {  	_ =	shalt  }
0x80: {  	_ =	shalt  }
0x81: {  	_ =	shalt  }
0x82: {  	_ =	shalt  }
0x83: {  	_ =	shalt  }
0x84: {  	_ =	shalt  }
0x85: {  	_ =	shalt  }
0x86: {  	_ =	shalt  }
0x87: {  	_ =	shalt  }
.Lfunc_end0:
.L_simem_size_0:
called_computation_lowered:
.L_overlay_start_0:
0x88: {  	s2 =	sld [smem:$0x3FD9]  }
0x89: {  	s3 =	sld [smem:$0x3FFE];
	_ =	sdelay $0x1  }
0x8a: {  	s1 =	srdreg.scid  }
0x8b: {  	s0 =	sand.u32 $0x1, s1  }
0x8c: {  	s18 =	sshll.u32 s0, $0xA;
	s2 =	sadd.s32 s3, s2  }
0x8d: {  	s2 =	sadd.s32 s2, s18  }
0x8e: {  	[smem:$0x3FC5] =	sst s2  }
0x8f: {  	_ = 	snop  }
0x90: {  	s2 =	sld [smem:$0x3FC9]  }
0x91: {  	s19 =	sld [smem:$0x3FC8]  }
0x92: {  	s4 =	sld [smem:$0x3FC7]  }
0x93: {  	s5 =	sld [smem:$0x3FD0];
	(tm) =	ssettm $0x1  }
0x94: {  	s6 =	sld [smem:$0x3FFB];
	_ =	sdelay $0x3  }
0x95: {  	_ =	strace s6  }
0x96: {  	s6 =	sld [smem:$0x3FFC];
	_ =	sdelay $0x3  }
0x97: {  	_ =	strace s6  }
0x98: {  	s6 =	sld [smem:$0x3FFD];
	_ =	sdelay $0x3  }
0x99: {  	_ =	strace s6  }
0x9a: {  	_ =	strace $0x8FFFFFFF  }
0x9b: {  	s20 =	sld [smem:$0x3FDB];
	_ =	sdelay $0x1  }
0x9c: {  	s7 =	simm.s32 $_scs_section_size  }
0x9d: {  	s8 =	simm.s32 $_size__tile_overlayer_lowered;
	s9 =	simm.s32 $_tile_overlayer_lowered  }
0x9e: {  	s23 =	simm.s32 $0x1BFF;
	s22 =	sshll.u32 s9, $0x1;
	s6 =	sadd.s32 s7, s20  }
0x9f: {  	s10 =	simm.s32 $0x0;
	s21 =	sshll.u32 s8, $0x1;
	s8 =	sadd.s32 s22, s6  }
0xa0: {  	[timem:s10], [sflag:s23] =	dma.local [hbm:s8], s21  }
0xa1: {  	_ =	swait.ge [sflag:s23], s21  }
0xa2: {  	s7 =	ssub.s32 $0x0, s21;
	[sflag:s23] =	ssyncset.done $0x0  }
0xa3: {  	[sflag:s23] =	ssyncadd.s32 s7;
	_ =	sdelay $0x1  }
0xa4: {  	s24 =	simm.s32 $0x1B8B  }
0xa5: {  	_ =	swait.ge [sflag:s24], $0x1  }
0xa6: {  	[sflag:s24] =	ssyncset.done $0x0  }
0xa7: {  	s25 =	simm.s32 $0x1B8E;
	[sflag:s24] =	ssyncadd.s32 $0xFFFFFFFF  }
0xa8: {  	s26 =	simm.s32 $execute0_lowered;
	[smem:$0x3FD2] =	sst s25  }
0xa9: {  	s7 =	sshll.u32 s26, $0x1;
	_ =	strace $0x80000046;
	[dreg:$0x1] =	wrdreg $0xFFFFFFFF  }
0xaa: {  	s28 =	simm.s32 $_size_execute0_lowered;
	s6 =	sadd.s32 s6, s7;
	[dreg:$0x0] =	wrdreg $0x0  }
0xab: {  	s7 =	sshll.u32 s28, $0x1;
	[dreg:$0x2] =	wrdreg s6  }
0xac: {  	[dreg:$0x3] =	wrdreg s7  }
0xad: {  	[dreg:$0x4] =	wrdreg $0xC0  }
0xae: {  	_ =	task [dreg:s10], $0x5FFFF  }
0xaf: {  	[dreg:$0x1] =	wrdreg $0xFFFFFFFF  }
0xb0: {  	[dreg:$0x0] =	wrdreg $0x60  }
0xb1: {  	[dreg:$0x2] =	wrdreg s2  }
0xb2: {  	[dreg:$0x3] =	wrdreg s19  }
0xb3: {  	[dreg:$0x4] =	wrdreg s4  }
0xb4: {  	[dreg:$0x5] =	wrdreg s5  }
0xb5: {  	[dreg:$0x6] =	wrdreg $0x9  }
0xb6: {  	_ =	task.clear_ibuf [dreg:s10], $0x7FFFF;
	_ =	strace $0x90000046  }
0xb7: {  	s29 =	simm.s32 $0x9;
	_ =	strace $0x80000048  }
0xb8: {  	_ =	swait.ge [sflag:s29], $0x1  }
0xb9: {  	[sflag:s29] =	ssyncadd.s32 $0xFFFFFFFF  }
0xba: {  	_ =	strace $0x90000048  }
0xbb: {  	_ =	sfence  }
0xbc: {  	s30 =	sld [smem:$0x0];
	_ =	sdelay $0x2  }
0xbd: {  	s31 =	sshll.u32 s1, $0xD;
	s1 =	sshrl.u32 s1, $0x2  }
0xbe: {  	s3 =	sand.u32 $0x4000, s31;
	s1 =	sadd.s32 s1, s30  }
0xbf: {  	s0 =	sor.u32 s3, s0;
	s1 =	sshll.u32 s1, $0x11  }
0xc0: {  	s0 =	sor.u32 s1, s0  }
0xc1: {  	s0 =	sadd.s32 $0x8F2B, s0  }
0xc2: {  	[sflag:s0] =	ssyncadd.remote.s32 $0x1  }
0xc3: {  	_ =	sfence.sel $0xFFFF  }
0xc4: {  	[dreg:$0x0] =	wrdreg $0xFFFFFFFF;
	(pc) =	sbr.abs _section_cstart, $3  }
0xc5: {  	[dreg:$0x1] =	wrdreg $0xFFFFFFFF  }
0xc6: {  	_ =	task.clear_ibuf [dreg:s10], $0x2FFFF;
	_ =	strace $0x9FFFFFFF  }
0xc7: {  	(tm) =	ssettm $0x7FFFFFFF  }
tec
execute0_lowered:
.L_overlay_start_1:
0x0: {  	(tag) =	ssettag $0x1  }
0x1: {  	s0 =	rddreg [dreg:$0x0]  }
0x2: {  	s20 =	rddreg [dreg:$0x1]  }
0x3: {  	s1 =	rddreg [dreg:$0x3]  }
0x4: {  	s2 =	srdreg.scid;
	s3 =	stileid.u32;
	s4 =	simm.s32 $0x0  }
0x5: {  	s30 =	simm.s32 $0x400;
	p1 =	por $0x0, $0x0;
	s18 =	simm.s32 $0x1000  }
0x6: {  	s19 =	simm.s32 $0x6;
	s21 =	simm.s32 $0x1;
	s22 =	simm.s32 $0x1100  }
0x7: {  	s23 =	simm.s32 $0x2000;
	s28 =	simm.s32 $0x3;
	s29 =	simm.s32 $0xD100  }
0x8: {  	s31 =	simm.s32 $0x13100;
	s2 =	sand.u32 $0x1, s2;
	s3 =	sshll.u32 s3, $0x1  }
0x9: {  	[smem:$0x7FF] =	sst s4;
	s9 =	sadd.s32 $0x3080, s0;
	s26 =	sadd.s32 $0x18000, s1  }
0xa: {  	s14 =	sadd.s32 $0x18400, s1;
	s5 =	ssub.s32 $0x2, s2;
	s2 =	sor.u32 s2, s3  }
0xb: {  	_ =	strace $0x80000047;
	[dreg:$0x6] =	wrdreg s26;
	s26 =	simm.s32 $0x7100  }
0xc: {  	s24 =	sshrl.u32 s5, $0x1;
	s10 =	sshll.u32 s2, $0xA;
	s6 =	sshll.u32 s2, $0x7  }
0xd: {  	p0 =	seq.s32 s2, $0x1;
	p4 =	sne.s32 s2, $0x0;
	s3 =	ssub.s32 s5, s24  }
0xe: {  	s25 =	sor.u32 $0x8000, s10;
	s12 =	sor.u32 $0x10000, s10;
	s6 =	sadd.s32 s0, s6  }
0xf: {  	s10 =	sadd.s32 s1, s10;
	p3 =	sne.s32 @!p0 s2, $0x0;
	s24 =	simm.s32 $0xC3800  }
.Ltmp0:
0x10: {  	s2 =	simm.s32 $0x0;
	s7 =	sshrl.u32 s25, $0x3;
	(pc) =	sbr.rel .LBB2_1-.Ltmp0, $4  }
0x11: {  	s8 =	sshrl.u32 s12, $0x3;
	s11 =	sadd.s32 s1, s25;
	s12 =	sadd.s32 s1, s12  }
0x12: {  	s15 =	smax.u32 s3, $0x1;
	p2 =	por p3, p0;
	p3 =	por !p3, p0  }
0x13: {  	s7 =	sadd.s32 s0, s7;
	s8 =	sadd.s32 s0, s8;
	s0 =	sadd.s32 $0x3000, s0  }
0x14: {  	v0 =	vimm.f32 $0.0e+00;
	v1 =	vlaneseq.u32;
	v2 =	vimm.f32 $1.000000000e+00;
	s25 =	simm.s32 $0x2;
	[dreg:$0x5] =	wrdreg s0;
	s0 =	simm.s32 $0x5  }
.LBB2_16:
0x15: {  	_ = 	snop  }
0x16: {  	v4 =	vadd.s32 $0x60, v3;
	_ =	sdelay $0x2  }
0x17: {  	v3 =	vld.idx.msk [tilespmem:v3+s18+$0x0], $0xffff;
	_ =	sdelay $0x1  }
0x18: {  	v4 =	vld.idx.msk [tilespmem:v4+s18+$0x0], $0xffff;
	_ =	sdelay $0x1  }
0x19: {  	v6 =	vmov s3  }
0x1a: {  	v5 =	vor.u32 s3, v1;
	v6 =	vshll.u32 v6, $0x3;
	v7 =	vshll.u32 v3, $0xA  }
0x1b: {  	v6 =	vand.u32 $0x1C00, v6;
	v3 =	vshll.u32 v3, $0x7;
	v7 =	vand.u32 $0xFFFFE000, v7  }
0x1c: {  	v3 =	vand.u32 $0x380, v3;
	v63 =	vshll.u32 v4, $0xA;
	v4 =	vshll.u32 v4, $0x7  }
0x1d: {  	v3 =	vor.u32 v7, v3;
	v7 =	vand.u32 $0xFFFFE000, v63;
	v4 =	vand.u32 $0x380, v4  }
0x1e: {  	v5 =	vand.u32 $0x7F, v5;
	v3 =	vor.u32 v6, v3;
	v4 =	vor.u32 v7, v4  }
0x1f: {  	v3 =	vor.u32 v5, v3;
	v4 =	vor.u32 v6, v4  }
0x20: {  	v4 =	vor.u32 v5, v4;
	_ =	sdelay $0x3  }
0x21: {  	[tilespmem:v3+s31+$0x0] =	vst.idx.msk $0xffff, v2  }
0x22: {  	[tilespmem:v4+s31+$0x0] =	vst.idx.msk $0xffff, v2  }
0x23: {  	[hbm4b:s14+s4] =	stream.linear.scatter [tilespmem:s31], [sflag:$0x5], $0x1800, $0x38;
	[tilespmem:$0x19100] =	vst v63  }
0x24: {  	s1 =	sadd.s32 $0x18700, s14;
	s16 =	simm.s32 $0x15100  }
0x25: {  	[hbm4b:s1+s4] =	stream.linear.scatter [tilespmem:s16], [sflag:$0x5], $0x1800, $0x38;
	[tilespmem:$0x19100] =	vst v63  }
0x26: {  	s17 =	sadd.s32 $0x30E00, s14;
	s20 =	simm.s32 $0x17100  }
0x27: {  	[hbm4b:s17+s4] =	stream.linear.scatter [tilespmem:s20], [sflag:$0x5], $0x1800, $0x38;
	[tilespmem:$0x19100] =	vst v63  }
0x28: {  	s20 =	smov.u32 s6  }
0x29: {  	s6 =	smov.u32 s7;
	s7 =	smov.u32 s8;
	s8 =	smov.u32 s9  }
0x2a: {  	s9 =	smov.u32 s10;
	s10 =	smov.u32 s11;
	s11 =	smov.u32 s12  }
0x2b: {  	s12 =	smov.u32 s15;
	s15 =	smov.u32 s30;
	s30 =	simm.s32 $0x400  }
.LBB2_17:
0x2c: {  	_ =	swait.ge [sflag:s0], $0x6000  }
0x2d: {  	[sflag:s0] =	ssyncset.done $0x0  }
0x2e: {  	[sflag:s0] =	ssyncadd.s32 $0xFFFFA000  }
0x2f: {  	_ =	swait.ge [sflag:s0], $0x6000  }
0x30: {  	[sflag:s0] =	ssyncset.done $0x0  }
0x31: {  	[sflag:s0] =	ssyncadd.s32 $0xFFFFA000  }
0x32: {  	_ =	swait.ge [sflag:s0], $0x6000  }
0x33: {  	[sflag:s0] =	ssyncset.done $0x0  }
0x34: {  	s1 =	simm.s32 @!p4 $0x5;
	s2 =	sadd.s32 $0x1, s2;
	[sflag:s0] =	ssyncadd.s32 $0xFFFFA000  }
0x35: {  	p6 =	sne.s32 s2, s15;
	_ =	swait.ge @!p4 [sflag:s1], $0x6000  }
.Ltmp1:
0x36: {  	[sflag:s1] =	ssyncset.done @!p4 $0x0;
	(pc) =	sbr.rel @!p6 .LBB2_18-.Ltmp1, $4  }
0x37: {  	[sflag:s1] =	ssyncadd.s32 @!p4 $0xFFFFA000;
	s1 =	simm.s32 @p5 $0x5  }
0x38: {  	_ =	swait.ge @p5 [sflag:s1], $0x4800  }
0x39: {  	[sflag:s1] =	ssyncset.done @p5 $0x0  }
0x3a: {  	[sflag:s1] =	ssyncadd.s32 @p5 $0xFFFFB800  }
.LBB2_1:
0x3b: {  	[tilespmem:s4], [sflag:$0x1] =	stream.linear.gather [hbm4b:s6+s4], $0x400, $0x38;
	[tilespmem:$0x19100] =	vst v63  }
0x3c: {  	_ = 	snop  }
0x3d: {  	[tilespmem:s30], [sflag:$0x2] =	stream.linear.gather [hbm4b:s7+s4], $0x400, $0x38;
	[tilespmem:$0x19100] =	vst v63  }
0x3e: {  	s1 =	simm.s32 $0x800  }
0x3f: {  	[tilespmem:s1], [sflag:$0x3] =	stream.linear.gather [hbm4b:s8+s4], $0x400, $0x38;
	[tilespmem:$0x19100] =	vst v63  }
0x40: {  	s3 =	simm.s32 @p0 $0xC00;
	s1 =	simm.s32 @p0 $0x0  }
0x41: {  	[tilespmem:s3], [sflag:$0x4] =	stream.linear.gather @p0 [hbm4b:s9+s1], $0x2A0, $0x38;
	[tilespmem:$0x19100] =	vst v63  }
0x42: {  	s5 =	rddreg [dreg:$0x5];
	s1 =	simm.s32 @!p2 $0x0;
	s3 =	simm.s32 @!p2 $0xC00  }
0x43: {  	[tilespmem:s3], [sflag:$0x4] =	stream.linear.gather @!p2 [hbm4b:s5+s1], $0x400, $0x38;
	[tilespmem:$0x19100] =	vst v63  }
0x44: {  	_ = 	snop  }
0x45: {  	[tilespmem:s18], [sflag:$0x6] =	stream.linear.gather [hbm4b:s20+s4], $0x54, $0x38;
	[tilespmem:$0x19100] =	vst v63  }
0x46: {  	_ =	swait.ge [sflag:s19], $0x54  }
0x47: {  	[sflag:s19] =	ssyncset.done $0x0  }
0x48: {  	[sflag:s19] =	ssyncadd.s32 $0xFFFFFFAC  }
0x49: {  	s17 =	simm.s32 $0x1060;
	s16 =	rddreg [dreg:$0x2]  }
0x4a: {  	[tilespmem:s17], [sflag:$0x6] =	stream.linear.gather [hbm4b:s16+s4], $0x54, $0x38;
	[tilespmem:$0x19100] =	vst v63  }
0x4b: {  	_ =	swait.ge [sflag:s19], $0x54  }
0x4c: {  	[sflag:s19] =	ssyncset.done $0x0  }
0x4d: {  	[sflag:s19] =	ssyncadd.s32 $0xFFFFFFAC  }
0x4e: {  	v3 =	vld [tilespmem:$0x1060]  }
0x4f: {  	v4 =	vld [tilespmem:$0x1070]  }
0x50: {  	v5 =	vld [tilespmem:$0x1080]  }
0x51: {  	v6 =	vld [tilespmem:$0x1090]  }
0x52: {  	v7 =	vld [tilespmem:$0x10A0]  }
0x53: {  	v8 =	vld [tilespmem:$0x10B0];
	v3 =	vadd.s32 $0x12, v3  }
0x54: {  	[tilespmem:$0x1060] =	vst v3;
	v3 =	vadd.s32 $0x12, v4  }
0x55: {  	[tilespmem:$0x1070] =	vst v3;
	v3 =	vadd.s32 $0x12, v5  }
0x56: {  	[tilespmem:$0x1080] =	vst v3;
	v3 =	vadd.s32 $0x12, v6  }
0x57: {  	[tilespmem:$0x1090] =	vst v3;
	v3 =	vadd.s32 $0x12, v7  }
0x58: {  	[tilespmem:$0x10A0] =	vst v3;
	v3 =	vadd.s32 $0x12, v8  }
0x59: {  	[tilespmem:$0x10B0] =	vst v3  }
0x5a: {  	_ =	swait.ge [sflag:s21], $0x400  }
0x5b: {  	s13 =	sand.u32 $0x1C00, s4;
	s5 =	sand.u32 $0x70, s4;
	[sflag:s21] =	ssyncset.done $0x0  }
0x5c: {  	s1 =	sor.u32 s5, s13;
	[sflag:s21] =	ssyncadd.s32 $0xFFFFFC00  }
0x5d: {  	[tilespmem:s1+$0x1100] =	vst v0  }
0x5e: {  	[tilespmem:s1+$0x5480] =	vst v0  }
0x5f: {  	[tilespmem:s1+$0x5400] =	vst v0  }
0x60: {  	[tilespmem:s1+$0x5380] =	vst v0  }
0x61: {  	[tilespmem:s1+$0x5300] =	vst v0  }
0x62: {  	[tilespmem:s1+$0x5280] =	vst v0  }
0x63: {  	[tilespmem:s1+$0x5200] =	vst v0  }
0x64: {  	[tilespmem:s1+$0x5180] =	vst v0  }
0x65: {  	[tilespmem:s1+$0x5100] =	vst v0  }
0x66: {  	[tilespmem:s1+$0x3480] =	vst v0  }
0x67: {  	[tilespmem:s1+$0x3400] =	vst v0  }
0x68: {  	[tilespmem:s1+$0x3380] =	vst v0  }
0x69: {  	[tilespmem:s1+$0x3300] =	vst v0  }
0x6a: {  	[tilespmem:s1+$0x3280] =	vst v0  }
0x6b: {  	[tilespmem:s1+$0x3200] =	vst v0  }
0x6c: {  	[tilespmem:s1+$0x3180] =	vst v0  }
0x6d: {  	[tilespmem:s1+$0x3100] =	vst v0  }
0x6e: {  	[tilespmem:s1+$0x1480] =	vst v0  }
0x6f: {  	[tilespmem:s1+$0x1400] =	vst v0  }
0x70: {  	[tilespmem:s1+$0x1380] =	vst v0  }
0x71: {  	[tilespmem:s1+$0x1300] =	vst v0  }
0x72: {  	[tilespmem:s1+$0x1280] =	vst v0  }
0x73: {  	[tilespmem:s1+$0x1200] =	vst v0  }
0x74: {  	[tilespmem:s1+$0x1180] =	vst v0  }
0x75: {  	v3 =	vld [tilespmem:s4+$0x0];
	_ =	sdelay $0x4  }
0x76: {  	v58 =	vadd.s32 $0x60, v3;
	_ =	sdelay $0x2  }
0x77: {  	v3 =	vld.idx.msk [tilespmem:v3+s18+$0x0], $0xffff;
	_ =	sdelay $0x1  }
0x78: {  	v4 =	vld.idx.msk [tilespmem:v58+s18+$0x0], $0xffff;
	_ =	sdelay $0x1  }
0x79: {  	v59 =	vmov s4  }
0x7a: {  	v60 =	vor.u32 s4, v1;
	v5 =	vshll.u32 v59, $0x3;
	v61 =	vshll.u32 v3, $0xA  }
0x7b: {  	v5 =	vand.u32 $0x1C00, v5;
	v3 =	vshll.u32 v3, $0x7;
	v7 =	vand.u32 $0xFFFFE000, v61  }
0x7c: {  	v3 =	vand.u32 $0x380, v3;
	v62 =	vshll.u32 v4, $0xA;
	v4 =	vshll.u32 v4, $0x7  }
0x7d: {  	v3 =	vor.u32 v7, v3;
	v63 =	vand.u32 $0xFFFFE000, v62;
	v4 =	vand.u32 $0x380, v4  }
0x7e: {  	v6 =	vand.u32 $0x7F, v60;
	v3 =	vor.u32 v5, v3;
	v4 =	vor.u32 v63, v4  }
0x7f: {  	v3 =	vor.u32 v6, v3;
	v4 =	vor.u32 v5, v4  }
0x80: {  	v4 =	vor.u32 v6, v4;
	_ =	sdelay $0x2  }
0x81: {  	s13 =	simm.s32 $0x10;
	s1 =	simm.s32 $0x80  }
0x82: {  	s16 =	sand.u32 $0x70, s13;
	s17 =	sand.u32 $0x1C00, s1;
	[tilespmem:v3+s22+$0x0] =	vst.idx.msk $0xffff, v2  }
0x83: {  	s17 =	sor.u32 s16, s17;
	[tilespmem:v4+s22+$0x0] =	vst.idx.msk $0xffff, v2  }
0x84: {  	[tilespmem:s17+$0x1100] =	vst v0  }
0x85: {  	[tilespmem:s17+$0x5480] =	vst v0  }
0x86: {  	[tilespmem:s17+$0x5400] =	vst v0  }
0x87: {  	[tilespmem:s17+$0x5380] =	vst v0  }
0x88: {  	[tilespmem:s17+$0x5300] =	vst v0  }
0x89: {  	[tilespmem:s17+$0x5280] =	vst v0  }
0x8a: {  	[tilespmem:s17+$0x5200] =	vst v0  }
0x8b: {  	[tilespmem:s17+$0x5180] =	vst v0  }
0x8c: {  	[tilespmem:s17+$0x5100] =	vst v0  }
0x8d: {  	[tilespmem:s17+$0x3480] =	vst v0  }
0x8e: {  	[tilespmem:s17+$0x3400] =	vst v0  }
0x8f: {  	[tilespmem:s17+$0x3380] =	vst v0  }
0x90: {  	[tilespmem:s17+$0x3300] =	vst v0  }
0x91: {  	[tilespmem:s17+$0x3280] =	vst v0  }
0x92: {  	[tilespmem:s17+$0x3200] =	vst v0  }
0x93: {  	[tilespmem:s17+$0x3180] =	vst v0  }
0x94: {  	[tilespmem:s17+$0x3100] =	vst v0  }
0x95: {  	[tilespmem:s17+$0x1480] =	vst v0  }
0x96: {  	[tilespmem:s17+$0x1400] =	vst v0  }
0x97: {  	p6 =	por @!p2 $0x0, $0x0;
	[tilespmem:s17+$0x1380] =	vst v0  }
0x98: {  	p5 =	por @p0 $0x1, $0x1;
	p6 =	por @!p3 p1, p1;
	[tilespmem:s17+$0x1300] =	vst v0  }
0x99: {  	p5 =	por @!p0 p6, p6;
	s3 =	simm.s32 $0x0;
	s16 =	simm.s32 $0x20;
	[tilespmem:s17+$0x1280] =	vst v0  }
.LBB2_2:
0x9a: {  	p6 =	sne.s32 s16, $0x3F0;
	[tilespmem:s17+$0x1200] =	vst v0  }
0x9b: {  	s3 =	sadd.s32 $0x10, s3;
	[tilespmem:s17+$0x1180] =	vst v0  }
0x9c: {  	v3 =	vld [tilespmem:s3+$0x0];
	_ =	sdelay $0x4  }
0x9d: {  	v4 =	vadd.s32 $0x60, v3;
	_ =	sdelay $0x2  }
0x9e: {  	v3 =	vld.idx.msk [tilespmem:v3+s18+$0x0], $0xffff;
	_ =	sdelay $0x1  }
0x9f: {  	v4 =	vld.idx.msk [tilespmem:v4+s18+$0x0], $0xffff;
	_ =	sdelay $0x2  }
0xa0: {  	v5 =	vmov s13  }
0xa1: {  	v6 =	vor.u32 s13, v1;
	s13 =	smov.u32 s16;
	v5 =	vshll.u32 v5, $0x3;
	v7 =	vshll.u32 v3, $0xA  }
0xa2: {  	v5 =	vand.u32 $0x1C00, v5;
	v3 =	vshll.u32 v3, $0x7;
	v7 =	vand.u32 $0xFFFFE000, v7  }
0xa3: {  	v3 =	vand.u32 $0x380, v3;
	v8 =	vshll.u32 v4, $0xA;
	v4 =	vshll.u32 v4, $0x7  }
0xa4: {  	v3 =	vor.u32 v7, v3;
	v7 =	vand.u32 $0xFFFFE000, v8;
	v4 =	vand.u32 $0x380, v4  }
0xa5: {  	v6 =	vand.u32 $0x7F, v6;
	v3 =	vor.u32 v5, v3;
	v4 =	vor.u32 v7, v4  }
0xa6: {  	v3 =	vor.u32 v6, v3;
	v4 =	vor.u32 v5, v4  }
0xa7: {  	v4 =	vor.u32 v6, v4;
	_ =	sdelay $0x2  }
0xa8: {  	s1 =	sadd.s32 $0x80, s1  }
0xa9: {  	s5 =	sand.u32 $0x70, s16;
	s17 =	sand.u32 $0x1C00, s1;
	[tilespmem:v3+s22+$0x0] =	vst.idx.msk $0xffff, v2  }
0xaa: {  	s17 =	sor.u32 s5, s17;
	[tilespmem:v4+s22+$0x0] =	vst.idx.msk $0xffff, v2  }
0xab: {  	[tilespmem:s17+$0x1100] =	vst v0  }
0xac: {  	[tilespmem:s17+$0x5480] =	vst v0  }
0xad: {  	[tilespmem:s17+$0x5400] =	vst v0  }
0xae: {  	[tilespmem:s17+$0x5380] =	vst v0  }
0xaf: {  	[tilespmem:s17+$0x5300] =	vst v0  }
0xb0: {  	[tilespmem:s17+$0x5280] =	vst v0  }
0xb1: {  	[tilespmem:s17+$0x5200] =	vst v0  }
0xb2: {  	[tilespmem:s17+$0x5180] =	vst v0  }
0xb3: {  	[tilespmem:s17+$0x5100] =	vst v0  }
0xb4: {  	[tilespmem:s17+$0x3480] =	vst v0  }
0xb5: {  	[tilespmem:s17+$0x3400] =	vst v0  }
0xb6: {  	[tilespmem:s17+$0x3380] =	vst v0  }
0xb7: {  	[tilespmem:s17+$0x3300] =	vst v0  }
0xb8: {  	[tilespmem:s17+$0x3280] =	vst v0  }
0xb9: {  	[tilespmem:s17+$0x3200] =	vst v0  }
0xba: {  	[tilespmem:s17+$0x3180] =	vst v0  }
0xbb: {  	[tilespmem:s17+$0x3100] =	vst v0  }
.Ltmp2:
0xbc: {  	[tilespmem:s17+$0x1480] =	vst v0;
	(pc) =	sbr.rel @p6 .LBB2_2-.Ltmp2, $4  }
0xbd: {  	[tilespmem:s17+$0x1400] =	vst v0  }
0xbe: {  	[tilespmem:s17+$0x1380] =	vst v0  }
0xbf: {  	[tilespmem:s17+$0x1300] =	vst v0  }
0xc0: {  	s16 =	sadd.s32 $0x10, s16;
	[tilespmem:s17+$0x1280] =	vst v0  }
0xc1: {  	[tilespmem:s17+$0x1200] =	vst v0  }
0xc2: {  	[tilespmem:s17+$0x1180] =	vst v0;
	s1 =	sadd.s32 $0x10, s3  }
0xc3: {  	v3 =	vld [tilespmem:s1+$0x0];
	_ =	sdelay $0x4  }
0xc4: {  	v4 =	vadd.s32 $0x60, v3;
	_ =	sdelay $0x2  }
0xc5: {  	v3 =	vld.idx.msk [tilespmem:v3+s18+$0x0], $0xffff;
	_ =	sdelay $0x1  }
0xc6: {  	v4 =	vld.idx.msk [tilespmem:v4+s18+$0x0], $0xffff;
	_ =	sdelay $0x1  }
0xc7: {  	v5 =	vmov s13  }
0xc8: {  	v6 =	vor.u32 s13, v1;
	v5 =	vshll.u32 v5, $0x3;
	v7 =	vshll.u32 v3, $0xA  }
0xc9: {  	v5 =	vand.u32 $0x1C00, v5;
	v3 =	vshll.u32 v3, $0x7;
	v7 =	vand.u32 $0xFFFFE000, v7  }
0xca: {  	v3 =	vand.u32 $0x380, v3;
	v8 =	vshll.u32 v4, $0xA;
	v4 =	vshll.u32 v4, $0x7  }
0xcb: {  	v3 =	vor.u32 v7, v3;
	v57 =	vand.u32 $0xFFFFE000, v8;
	v4 =	vand.u32 $0x380, v4  }
0xcc: {  	v6 =	vand.u32 $0x7F, v6;
	v3 =	vor.u32 v5, v3;
	v4 =	vor.u32 v57, v4  }
0xcd: {  	v3 =	vor.u32 v6, v3;
	v4 =	vor.u32 v5, v4  }
0xce: {  	v4 =	vor.u32 v6, v4;
	_ =	sdelay $0x3  }
0xcf: {  	[tilespmem:v3+s22+$0x0] =	vst.idx.msk $0xffff, v2  }
0xd0: {  	[tilespmem:v4+s22+$0x0] =	vst.idx.msk $0xffff, v2  }
0xd1: {  	[hbm4b:s10+s23] =	stream.strided.scatter [tilespmem:s22], [sflag:$0x5], $0x6000, s24, s23, $0x38;
	[tilespmem:$0x19100] =	vst v63  }
0xd2: {  	s17 =	simm.s32 $0x0;
	_ =	swait.ge [sflag:s25], $0x400  }
0xd3: {  	s16 =	sand.u32 $0x70, s17;
	s5 =	sand.u32 $0x1C00, s17;
	[sflag:s25] =	ssyncset.done $0x0  }
0xd4: {  	s3 =	sor.u32 s16, s5;
	[sflag:s25] =	ssyncadd.s32 $0xFFFFFC00  }
0xd5: {  	[tilespmem:s3+$0x7100] =	vst v0  }
0xd6: {  	[tilespmem:s3+$0xB480] =	vst v0  }
0xd7: {  	[tilespmem:s3+$0xB400] =	vst v0  }
0xd8: {  	[tilespmem:s3+$0xB380] =	vst v0  }
0xd9: {  	[tilespmem:s3+$0xB300] =	vst v0  }
0xda: {  	[tilespmem:s3+$0xB280] =	vst v0  }
0xdb: {  	[tilespmem:s3+$0xB200] =	vst v0  }
0xdc: {  	[tilespmem:s3+$0xB180] =	vst v0  }
0xdd: {  	[tilespmem:s3+$0xB100] =	vst v0  }
0xde: {  	[tilespmem:s3+$0x9480] =	vst v0  }
0xdf: {  	[tilespmem:s3+$0x9400] =	vst v0  }
0xe0: {  	[tilespmem:s3+$0x9380] =	vst v0  }
0xe1: {  	[tilespmem:s3+$0x9300] =	vst v0  }
0xe2: {  	[tilespmem:s3+$0x9280] =	vst v0  }
0xe3: {  	[tilespmem:s3+$0x9200] =	vst v0  }
0xe4: {  	[tilespmem:s3+$0x9180] =	vst v0  }
0xe5: {  	[tilespmem:s3+$0x9100] =	vst v0  }
0xe6: {  	[tilespmem:s3+$0x7480] =	vst v0  }
0xe7: {  	[tilespmem:s3+$0x7400] =	vst v0  }
0xe8: {  	[tilespmem:s3+$0x7380] =	vst v0  }
0xe9: {  	[tilespmem:s3+$0x7300] =	vst v0  }
0xea: {  	[tilespmem:s3+$0x7280] =	vst v0  }
0xeb: {  	[tilespmem:s3+$0x7200] =	vst v0  }
0xec: {  	s13 =	simm.s32 $0x400;
	[tilespmem:s3+$0x7180] =	vst v0  }
0xed: {  	v3 =	vld [tilespmem:s13+$0x0];
	_ =	sdelay $0x4  }
0xee: {  	v58 =	vadd.s32 $0x60, v3;
	_ =	sdelay $0x2  }
0xef: {  	v3 =	vld.idx.msk [tilespmem:v3+s18+$0x0], $0xffff;
	_ =	sdelay $0x1  }
0xf0: {  	v4 =	vld.idx.msk [tilespmem:v58+s18+$0x0], $0xffff;
	_ =	sdelay $0x1  }
0xf1: {  	v59 =	vmov s17  }
0xf2: {  	v60 =	vor.u32 s17, v1;
	v5 =	vshll.u32 v59, $0x3;
	v61 =	vshll.u32 v3, $0xA  }
0xf3: {  	v5 =	vand.u32 $0x1C00, v5;
	v3 =	vshll.u32 v3, $0x7;
	v7 =	vand.u32 $0xFFFFE000, v61  }
0xf4: {  	v3 =	vand.u32 $0x380, v3;
	v62 =	vshll.u32 v4, $0xA;
	v4 =	vshll.u32 v4, $0x7  }
0xf5: {  	v3 =	vor.u32 v7, v3;
	v63 =	vand.u32 $0xFFFFE000, v62;
	v4 =	vand.u32 $0x380, v4  }
0xf6: {  	v6 =	vand.u32 $0x7F, v60;
	v3 =	vor.u32 v5, v3;
	v4 =	vor.u32 v63, v4  }
0xf7: {  	v3 =	vor.u32 v6, v3;
	v4 =	vor.u32 v5, v4  }
0xf8: {  	v4 =	vor.u32 v6, v4;
	_ =	sdelay $0x2  }
0xf9: {  	s1 =	simm.s32 $0x10;
	s3 =	simm.s32 $0x80  }
0xfa: {  	s17 =	sand.u32 $0x70, s1;
	s16 =	sand.u32 $0x1C00, s3;
	[tilespmem:v3+s26+$0x0] =	vst.idx.msk $0xffff, v2  }
0xfb: {  	s17 =	sor.u32 s17, s16;
	[tilespmem:v4+s26+$0x0] =	vst.idx.msk $0xffff, v2  }
0xfc: {  	[tilespmem:s17+$0x7100] =	vst v0  }
0xfd: {  	[tilespmem:s17+$0xB480] =	vst v0  }
0xfe: {  	[tilespmem:s17+$0xB400] =	vst v0  }
0xff: {  	[tilespmem:s17+$0xB380] =	vst v0  }
0x100: {  	[tilespmem:s17+$0xB300] =	vst v0  }
0x101: {  	[tilespmem:s17+$0xB280] =	vst v0  }
0x102: {  	[tilespmem:s17+$0xB200] =	vst v0  }
0x103: {  	[tilespmem:s17+$0xB180] =	vst v0  }
0x104: {  	[tilespmem:s17+$0xB100] =	vst v0  }
0x105: {  	[tilespmem:s17+$0x9480] =	vst v0  }
0x106: {  	[tilespmem:s17+$0x9400] =	vst v0  }
0x107: {  	[tilespmem:s17+$0x9380] =	vst v0  }
0x108: {  	[tilespmem:s17+$0x9300] =	vst v0  }
0x109: {  	[tilespmem:s17+$0x9280] =	vst v0  }
0x10a: {  	[tilespmem:s17+$0x9200] =	vst v0  }
0x10b: {  	[tilespmem:s17+$0x9180] =	vst v0  }
0x10c: {  	[tilespmem:s17+$0x9100] =	vst v0  }
0x10d: {  	[tilespmem:s17+$0x7480] =	vst v0  }
0x10e: {  	[tilespmem:s17+$0x7400] =	vst v0  }
0x10f: {  	[tilespmem:s17+$0x7380] =	vst v0  }
0x110: {  	[tilespmem:s17+$0x7300] =	vst v0  }
0x111: {  	s16 =	simm.s32 $0x20;
	[tilespmem:s17+$0x7280] =	vst v0  }
.LBB2_4:
0x112: {  	p6 =	sne.s32 s16, $0x3F0;
	[tilespmem:s17+$0x7200] =	vst v0  }
0x113: {  	s13 =	sadd.s32 $0x10, s13;
	[tilespmem:s17+$0x7180] =	vst v0  }
0x114: {  	v3 =	vld [tilespmem:s13+$0x0];
	_ =	sdelay $0x4  }
0x115: {  	v4 =	vadd.s32 $0x60, v3;
	_ =	sdelay $0x2  }
0x116: {  	v3 =	vld.idx.msk [tilespmem:v3+s18+$0x0], $0xffff;
	_ =	sdelay $0x1  }
0x117: {  	v4 =	vld.idx.msk [tilespmem:v4+s18+$0x0], $0xffff;
	_ =	sdelay $0x2  }
0x118: {  	v5 =	vmov s1  }
0x119: {  	v6 =	vor.u32 s1, v1;
	s1 =	smov.u32 s16;
	v5 =	vshll.u32 v5, $0x3;
	v7 =	vshll.u32 v3, $0xA  }
0x11a: {  	v5 =	vand.u32 $0x1C00, v5;
	v3 =	vshll.u32 v3, $0x7;
	v7 =	vand.u32 $0xFFFFE000, v7  }
0x11b: {  	v3 =	vand.u32 $0x380, v3;
	v8 =	vshll.u32 v4, $0xA;
	v4 =	vshll.u32 v4, $0x7  }
0x11c: {  	v3 =	vor.u32 v7, v3;
	v7 =	vand.u32 $0xFFFFE000, v8;
	v4 =	vand.u32 $0x380, v4  }
0x11d: {  	v6 =	vand.u32 $0x7F, v6;
	v3 =	vor.u32 v5, v3;
	v4 =	vor.u32 v7, v4  }
0x11e: {  	v3 =	vor.u32 v6, v3;
	v4 =	vor.u32 v5, v4  }
0x11f: {  	v4 =	vor.u32 v6, v4;
	_ =	sdelay $0x2  }
0x120: {  	s3 =	sadd.s32 $0x80, s3  }
0x121: {  	s5 =	sand.u32 $0x70, s16;
	s17 =	sand.u32 $0x1C00, s3;
	[tilespmem:v3+s26+$0x0] =	vst.idx.msk $0xffff, v2  }
0x122: {  	s17 =	sor.u32 s5, s17;
	[tilespmem:v4+s26+$0x0] =	vst.idx.msk $0xffff, v2  }
0x123: {  	[tilespmem:s17+$0x7100] =	vst v0  }
0x124: {  	[tilespmem:s17+$0xB480] =	vst v0  }
0x125: {  	[tilespmem:s17+$0xB400] =	vst v0  }
0x126: {  	[tilespmem:s17+$0xB380] =	vst v0  }
0x127: {  	[tilespmem:s17+$0xB300] =	vst v0  }
0x128: {  	[tilespmem:s17+$0xB280] =	vst v0  }
0x129: {  	[tilespmem:s17+$0xB200] =	vst v0  }
0x12a: {  	[tilespmem:s17+$0xB180] =	vst v0  }
0x12b: {  	[tilespmem:s17+$0xB100] =	vst v0  }
0x12c: {  	[tilespmem:s17+$0x9480] =	vst v0  }
0x12d: {  	[tilespmem:s17+$0x9400] =	vst v0  }
0x12e: {  	[tilespmem:s17+$0x9380] =	vst v0  }
0x12f: {  	[tilespmem:s17+$0x9300] =	vst v0  }
0x130: {  	[tilespmem:s17+$0x9280] =	vst v0  }
0x131: {  	[tilespmem:s17+$0x9200] =	vst v0  }
0x132: {  	[tilespmem:s17+$0x9180] =	vst v0  }
0x133: {  	[tilespmem:s17+$0x9100] =	vst v0  }
.Ltmp3:
0x134: {  	[tilespmem:s17+$0x7480] =	vst v0;
	(pc) =	sbr.rel @p6 .LBB2_4-.Ltmp3, $4  }
0x135: {  	[tilespmem:s17+$0x7400] =	vst v0  }
0x136: {  	[tilespmem:s17+$0x7380] =	vst v0  }
0x137: {  	[tilespmem:s17+$0x7300] =	vst v0  }
0x138: {  	s16 =	sadd.s32 $0x10, s16;
	[tilespmem:s17+$0x7280] =	vst v0  }
0x139: {  	[tilespmem:s17+$0x7200] =	vst v0  }
0x13a: {  	[tilespmem:s17+$0x7180] =	vst v0;
	s3 =	sadd.s32 $0x10, s13  }
0x13b: {  	v3 =	vld [tilespmem:s3+$0x0];
	_ =	sdelay $0x4  }
0x13c: {  	v4 =	vadd.s32 $0x60, v3;
	_ =	sdelay $0x2  }
0x13d: {  	v3 =	vld.idx.msk [tilespmem:v3+s18+$0x0], $0xffff;
	_ =	sdelay $0x1  }
0x13e: {  	v4 =	vld.idx.msk [tilespmem:v4+s18+$0x0], $0xffff;
	_ =	sdelay $0x1  }
0x13f: {  	v5 =	vmov s1  }
0x140: {  	v6 =	vor.u32 s1, v1;
	v5 =	vshll.u32 v5, $0x3;
	v7 =	vshll.u32 v3, $0xA  }
0x141: {  	v5 =	vand.u32 $0x1C00, v5;
	v3 =	vshll.u32 v3, $0x7;
	v7 =	vand.u32 $0xFFFFE000, v7  }
0x142: {  	v3 =	vand.u32 $0x380, v3;
	v8 =	vshll.u32 v4, $0xA;
	v4 =	vshll.u32 v4, $0x7  }
0x143: {  	v3 =	vor.u32 v7, v3;
	v57 =	vand.u32 $0xFFFFE000, v8;
	v4 =	vand.u32 $0x380, v4  }
0x144: {  	v6 =	vand.u32 $0x7F, v6;
	v3 =	vor.u32 v5, v3;
	v4 =	vor.u32 v57, v4  }
0x145: {  	v3 =	vor.u32 v6, v3;
	v4 =	vor.u32 v5, v4  }
0x146: {  	v4 =	vor.u32 v6, v4;
	_ =	sdelay $0x3  }
0x147: {  	[tilespmem:v3+s26+$0x0] =	vst.idx.msk $0xffff, v2  }
0x148: {  	[tilespmem:v4+s26+$0x0] =	vst.idx.msk $0xffff, v2  }
0x149: {  	[hbm4b:s11+s23] =	stream.strided.scatter [tilespmem:s26], [sflag:$0x5], $0x6000, s24, s23, $0x38;
	[tilespmem:$0x19100] =	vst v63  }
0x14a: {  	s17 =	simm.s32 $0x0;
	_ =	swait.ge [sflag:s28], $0x400  }
0x14b: {  	s16 =	sand.u32 $0x70, s17;
	s5 =	sand.u32 $0x1C00, s17;
	[sflag:s28] =	ssyncset.done $0x0  }
0x14c: {  	s3 =	sor.u32 s16, s5;
	[sflag:s28] =	ssyncadd.s32 $0xFFFFFC00  }
0x14d: {  	[tilespmem:s3+$0xD100] =	vst v0  }
0x14e: {  	[tilespmem:s3+$0x11480] =	vst v0  }
0x14f: {  	[tilespmem:s3+$0x11400] =	vst v0  }
0x150: {  	[tilespmem:s3+$0x11380] =	vst v0  }
0x151: {  	[tilespmem:s3+$0x11300] =	vst v0  }
0x152: {  	[tilespmem:s3+$0x11280] =	vst v0  }
0x153: {  	[tilespmem:s3+$0x11200] =	vst v0  }
0x154: {  	[tilespmem:s3+$0x11180] =	vst v0  }
0x155: {  	[tilespmem:s3+$0x11100] =	vst v0  }
0x156: {  	[tilespmem:s3+$0xF480] =	vst v0  }
0x157: {  	[tilespmem:s3+$0xF400] =	vst v0  }
0x158: {  	[tilespmem:s3+$0xF380] =	vst v0  }
0x159: {  	[tilespmem:s3+$0xF300] =	vst v0  }
0x15a: {  	[tilespmem:s3+$0xF280] =	vst v0  }
0x15b: {  	[tilespmem:s3+$0xF200] =	vst v0  }
0x15c: {  	[tilespmem:s3+$0xF180] =	vst v0  }
0x15d: {  	[tilespmem:s3+$0xF100] =	vst v0  }
0x15e: {  	[tilespmem:s3+$0xD480] =	vst v0  }
0x15f: {  	[tilespmem:s3+$0xD400] =	vst v0  }
0x160: {  	[tilespmem:s3+$0xD380] =	vst v0  }
0x161: {  	[tilespmem:s3+$0xD300] =	vst v0  }
0x162: {  	[tilespmem:s3+$0xD280] =	vst v0  }
0x163: {  	[tilespmem:s3+$0xD200] =	vst v0  }
0x164: {  	s13 =	simm.s32 $0x800;
	[tilespmem:s3+$0xD180] =	vst v0  }
0x165: {  	v3 =	vld [tilespmem:s13+$0x0];
	_ =	sdelay $0x4  }
0x166: {  	v58 =	vadd.s32 $0x60, v3;
	_ =	sdelay $0x2  }
0x167: {  	v3 =	vld.idx.msk [tilespmem:v3+s18+$0x0], $0xffff;
	_ =	sdelay $0x1  }
0x168: {  	v4 =	vld.idx.msk [tilespmem:v58+s18+$0x0], $0xffff;
	_ =	sdelay $0x1  }
0x169: {  	v59 =	vmov s17  }
0x16a: {  	v60 =	vor.u32 s17, v1;
	v5 =	vshll.u32 v59, $0x3;
	v61 =	vshll.u32 v3, $0xA  }
0x16b: {  	v5 =	vand.u32 $0x1C00, v5;
	v3 =	vshll.u32 v3, $0x7;
	v7 =	vand.u32 $0xFFFFE000, v61  }
0x16c: {  	v3 =	vand.u32 $0x380, v3;
	v62 =	vshll.u32 v4, $0xA;
	v4 =	vshll.u32 v4, $0x7  }
0x16d: {  	v3 =	vor.u32 v7, v3;
	v63 =	vand.u32 $0xFFFFE000, v62;
	v4 =	vand.u32 $0x380, v4  }
0x16e: {  	v6 =	vand.u32 $0x7F, v60;
	v3 =	vor.u32 v5, v3;
	v4 =	vor.u32 v63, v4  }
0x16f: {  	v3 =	vor.u32 v6, v3;
	v4 =	vor.u32 v5, v4  }
0x170: {  	v4 =	vor.u32 v6, v4;
	_ =	sdelay $0x2  }
0x171: {  	s1 =	simm.s32 $0x10;
	s3 =	simm.s32 $0x80  }
0x172: {  	s17 =	sand.u32 $0x70, s1;
	s16 =	sand.u32 $0x1C00, s3;
	[tilespmem:v3+s29+$0x0] =	vst.idx.msk $0xffff, v2  }
0x173: {  	s17 =	sor.u32 s17, s16;
	[tilespmem:v4+s29+$0x0] =	vst.idx.msk $0xffff, v2  }
0x174: {  	[tilespmem:s17+$0xD100] =	vst v0  }
0x175: {  	[tilespmem:s17+$0x11480] =	vst v0  }
0x176: {  	[tilespmem:s17+$0x11400] =	vst v0  }
0x177: {  	[tilespmem:s17+$0x11380] =	vst v0  }
0x178: {  	[tilespmem:s17+$0x11300] =	vst v0  }
0x179: {  	[tilespmem:s17+$0x11280] =	vst v0  }
0x17a: {  	[tilespmem:s17+$0x11200] =	vst v0  }
0x17b: {  	[tilespmem:s17+$0x11180] =	vst v0  }
0x17c: {  	[tilespmem:s17+$0x11100] =	vst v0  }
0x17d: {  	[tilespmem:s17+$0xF480] =	vst v0  }
0x17e: {  	[tilespmem:s17+$0xF400] =	vst v0  }
0x17f: {  	[tilespmem:s17+$0xF380] =	vst v0  }
0x180: {  	[tilespmem:s17+$0xF300] =	vst v0  }
0x181: {  	[tilespmem:s17+$0xF280] =	vst v0  }
0x182: {  	[tilespmem:s17+$0xF200] =	vst v0  }
0x183: {  	[tilespmem:s17+$0xF180] =	vst v0  }
0x184: {  	[tilespmem:s17+$0xF100] =	vst v0  }
0x185: {  	[tilespmem:s17+$0xD480] =	vst v0  }
0x186: {  	[tilespmem:s17+$0xD400] =	vst v0  }
0x187: {  	[tilespmem:s17+$0xD380] =	vst v0  }
0x188: {  	[tilespmem:s17+$0xD300] =	vst v0  }
0x189: {  	s16 =	simm.s32 $0x20;
	[tilespmem:s17+$0xD280] =	vst v0  }
.LBB2_6:
0x18a: {  	p6 =	sne.s32 s16, $0x3F0;
	[tilespmem:s17+$0xD200] =	vst v0  }
0x18b: {  	s13 =	sadd.s32 $0x10, s13;
	[tilespmem:s17+$0xD180] =	vst v0  }
0x18c: {  	v3 =	vld [tilespmem:s13+$0x0];
	_ =	sdelay $0x4  }
0x18d: {  	v4 =	vadd.s32 $0x60, v3;
	_ =	sdelay $0x2  }
0x18e: {  	v3 =	vld.idx.msk [tilespmem:v3+s18+$0x0], $0xffff;
	_ =	sdelay $0x1  }
0x18f: {  	v4 =	vld.idx.msk [tilespmem:v4+s18+$0x0], $0xffff;
	_ =	sdelay $0x2  }
0x190: {  	v5 =	vmov s1  }
0x191: {  	v6 =	vor.u32 s1, v1;
	s1 =	smov.u32 s16;
	v5 =	vshll.u32 v5, $0x3;
	v7 =	vshll.u32 v3, $0xA  }
0x192: {  	v5 =	vand.u32 $0x1C00, v5;
	v3 =	vshll.u32 v3, $0x7;
	v7 =	vand.u32 $0xFFFFE000, v7  }
0x193: {  	v3 =	vand.u32 $0x380, v3;
	v8 =	vshll.u32 v4, $0xA;
	v4 =	vshll.u32 v4, $0x7  }
0x194: {  	v3 =	vor.u32 v7, v3;
	v7 =	vand.u32 $0xFFFFE000, v8;
	v4 =	vand.u32 $0x380, v4  }
0x195: {  	v6 =	vand.u32 $0x7F, v6;
	v3 =	vor.u32 v5, v3;
	v4 =	vor.u32 v7, v4  }
0x196: {  	v3 =	vor.u32 v6, v3;
	v4 =	vor.u32 v5, v4  }
0x197: {  	v4 =	vor.u32 v6, v4;
	_ =	sdelay $0x2  }
0x198: {  	s3 =	sadd.s32 $0x80, s3  }
0x199: {  	s5 =	sand.u32 $0x70, s16;
	s17 =	sand.u32 $0x1C00, s3;
	[tilespmem:v3+s29+$0x0] =	vst.idx.msk $0xffff, v2  }
0x19a: {  	s17 =	sor.u32 s5, s17;
	[tilespmem:v4+s29+$0x0] =	vst.idx.msk $0xffff, v2  }
0x19b: {  	[tilespmem:s17+$0xD100] =	vst v0  }
0x19c: {  	[tilespmem:s17+$0x11480] =	vst v0  }
0x19d: {  	[tilespmem:s17+$0x11400] =	vst v0  }
0x19e: {  	[tilespmem:s17+$0x11380] =	vst v0  }
0x19f: {  	[tilespmem:s17+$0x11300] =	vst v0  }
0x1a0: {  	[tilespmem:s17+$0x11280] =	vst v0  }
0x1a1: {  	[tilespmem:s17+$0x11200] =	vst v0  }
0x1a2: {  	[tilespmem:s17+$0x11180] =	vst v0  }
0x1a3: {  	[tilespmem:s17+$0x11100] =	vst v0  }
0x1a4: {  	[tilespmem:s17+$0xF480] =	vst v0  }
0x1a5: {  	[tilespmem:s17+$0xF400] =	vst v0  }
0x1a6: {  	[tilespmem:s17+$0xF380] =	vst v0  }
0x1a7: {  	[tilespmem:s17+$0xF300] =	vst v0  }
0x1a8: {  	[tilespmem:s17+$0xF280] =	vst v0  }
0x1a9: {  	[tilespmem:s17+$0xF200] =	vst v0  }
0x1aa: {  	[tilespmem:s17+$0xF180] =	vst v0  }
0x1ab: {  	[tilespmem:s17+$0xF100] =	vst v0  }
.Ltmp4:
0x1ac: {  	[tilespmem:s17+$0xD480] =	vst v0;
	(pc) =	sbr.rel @p6 .LBB2_6-.Ltmp4, $4  }
0x1ad: {  	[tilespmem:s17+$0xD400] =	vst v0  }
0x1ae: {  	[tilespmem:s17+$0xD380] =	vst v0  }
0x1af: {  	[tilespmem:s17+$0xD300] =	vst v0  }
0x1b0: {  	s16 =	sadd.s32 $0x10, s16;
	[tilespmem:s17+$0xD280] =	vst v0  }
0x1b1: {  	[tilespmem:s17+$0xD200] =	vst v0  }
0x1b2: {  	[tilespmem:s17+$0xD180] =	vst v0;
	s3 =	sadd.s32 $0x10, s13  }
0x1b3: {  	v3 =	vld [tilespmem:s3+$0x0];
	_ =	sdelay $0x4  }
0x1b4: {  	v4 =	vadd.s32 $0x60, v3;
	_ =	sdelay $0x2  }
0x1b5: {  	v3 =	vld.idx.msk [tilespmem:v3+s18+$0x0], $0xffff;
	_ =	sdelay $0x1  }
0x1b6: {  	v4 =	vld.idx.msk [tilespmem:v4+s18+$0x0], $0xffff;
	_ =	sdelay $0x1  }
0x1b7: {  	v5 =	vmov s1  }
0x1b8: {  	v6 =	vor.u32 s1, v1;
	v5 =	vshll.u32 v5, $0x3;
	v7 =	vshll.u32 v3, $0xA  }
0x1b9: {  	v5 =	vand.u32 $0x1C00, v5;
	v3 =	vshll.u32 v3, $0x7;
	v7 =	vand.u32 $0xFFFFE000, v7  }
0x1ba: {  	v3 =	vand.u32 $0x380, v3;
	v8 =	vshll.u32 v4, $0xA;
	v4 =	vshll.u32 v4, $0x7  }
0x1bb: {  	v3 =	vor.u32 v7, v3;
	v63 =	vand.u32 $0xFFFFE000, v8;
	v4 =	vand.u32 $0x380, v4  }
0x1bc: {  	v6 =	vand.u32 $0x7F, v6;
	v3 =	vor.u32 v5, v3;
	v4 =	vor.u32 v63, v4  }
0x1bd: {  	v3 =	vor.u32 v6, v3;
	v4 =	vor.u32 v5, v4  }
0x1be: {  	v4 =	vor.u32 v6, v4;
	_ =	sdelay $0x1  }
.Ltmp5:
0x1bf: {  	_ = 	snop;
	(pc) =	sbr.rel @p4 .LBB2_11-.Ltmp5, $4  }
0x1c0: {  	_ = 	snop  }
0x1c1: {  	[tilespmem:v3+s29+$0x0] =	vst.idx.msk $0xffff, v2  }
0x1c2: {  	[tilespmem:v4+s29+$0x0] =	vst.idx.msk $0xffff, v2  }
0x1c3: {  	[hbm4b:s12+s23] =	stream.strided.scatter [tilespmem:s29], [sflag:$0x5], $0x6000, s24, s23, $0x38;
	[tilespmem:$0x19100] =	vst v63  }
0x1c4: {  	s13 =	simm.s32 $0x4  }
0x1c5: {  	s1 =	simm.s32 $0x0;
	_ =	swait.ge [sflag:s13], $0x400  }
0x1c6: {  	s3 =	sand.u32 $0x70, s1;
	s5 =	sand.u32 $0x1C00, s1;
	[sflag:s13] =	ssyncset.done $0x0  }
0x1c7: {  	s5 =	sor.u32 s3, s5;
	[sflag:s13] =	ssyncadd.s32 $0xFFFFFC00  }
0x1c8: {  	s3 =	sadd.s32 $0x13100, s5;
	[tilespmem:s5+$0x13100] =	vst v0  }
0x1c9: {  	[tilespmem:s3+$0x380] =	vst v0  }
0x1ca: {  	[tilespmem:s3+$0x300] =	vst v0  }
0x1cb: {  	[tilespmem:s3+$0x280] =	vst v0  }
0x1cc: {  	[tilespmem:s3+$0x200] =	vst v0  }
0x1cd: {  	[tilespmem:s3+$0x180] =	vst v0  }
0x1ce: {  	[tilespmem:s3+$0x80] =	vst v0  }
0x1cf: {  	[tilespmem:s3+$0x100] =	vst v0  }
0x1d0: {  	[tilespmem:s5+$0x15100] =	vst v0  }
0x1d1: {  	[tilespmem:s5+$0x17480] =	vst v0  }
0x1d2: {  	[tilespmem:s5+$0x17400] =	vst v0  }
0x1d3: {  	[tilespmem:s5+$0x15300] =	vst v0  }
0x1d4: {  	[tilespmem:s5+$0x17380] =	vst v0  }
0x1d5: {  	[tilespmem:s5+$0x17300] =	vst v0  }
0x1d6: {  	[tilespmem:s5+$0x17280] =	vst v0  }
0x1d7: {  	[tilespmem:s5+$0x17200] =	vst v0  }
0x1d8: {  	[tilespmem:s5+$0x17180] =	vst v0  }
0x1d9: {  	[tilespmem:s5+$0x17100] =	vst v0  }
0x1da: {  	[tilespmem:s5+$0x15480] =	vst v0  }
0x1db: {  	[tilespmem:s5+$0x15400] =	vst v0  }
0x1dc: {  	[tilespmem:s5+$0x15380] =	vst v0  }
0x1dd: {  	[tilespmem:s5+$0x15200] =	vst v0  }
0x1de: {  	[tilespmem:s5+$0x15180] =	vst v0  }
0x1df: {  	s3 =	simm.s32 $0xC00;
	[tilespmem:s5+$0x15280] =	vst v0  }
0x1e0: {  	s16 =	simm.s32 $0x10;
	s13 =	simm.s32 $0x0;
	v3 =	vld [tilespmem:s3+$0x0]  }
.LBB2_9:
0x1e1: {  	_ =	sdelay $0x2  }
0x1e2: {  	p6 =	sne.s32 s16, $0x3F0;
	s1 =	sadd.s32 $0x80, s1;
	s3 =	sadd.s32 $0x10, s3  }
0x1e3: {  	s5 =	smov.u32 s16;
	s16 =	sadd.s32 $0x10, s16;
	v4 =	vadd.s32 $0x60, v3;
	_ =	sdelay $0x2  }
0x1e4: {  	v3 =	vld.idx.msk [tilespmem:v3+s18+$0x0], $0xffff;
	_ =	sdelay $0x1  }
0x1e5: {  	v4 =	vld.idx.msk [tilespmem:v4+s18+$0x0], $0xffff;
	_ =	sdelay $0x2  }
0x1e6: {  	v5 =	vor.u32 s13, v1  }
0x1e7: {  	v6 =	vmov s13;
	s13 =	smov.u32 s5;
	v7 =	vshll.u32 v3, $0xA;
	v3 =	vshll.u32 v3, $0x7  }
0x1e8: {  	v6 =	vshll.u32 v6, $0x3;
	v7 =	vand.u32 $0xFFFFE000, v7;
	v3 =	vand.u32 $0x380, v3  }
0x1e9: {  	v3 =	vor.u32 v7, v3;
	v7 =	vshll.u32 v4, $0xA;
	v4 =	vshll.u32 v4, $0x7  }
0x1ea: {  	v6 =	vand.u32 $0x1C00, v6;
	v7 =	vand.u32 $0xFFFFE000, v7;
	v4 =	vand.u32 $0x380, v4  }
0x1eb: {  	v5 =	vand.u32 $0x7F, v5;
	v3 =	vor.u32 v6, v3;
	v4 =	vor.u32 v7, v4  }
0x1ec: {  	v3 =	vor.u32 v5, v3;
	v4 =	vor.u32 v6, v4  }
0x1ed: {  	v4 =	vor.u32 v5, v4;
	_ =	sdelay $0x3  }
0x1ee: {  	s17 =	sand.u32 $0x1C00, s1;
	s5 =	sand.u32 $0x70, s13;
	[tilespmem:v3+s31+$0x0] =	vst.idx.msk $0xffff, v2  }
0x1ef: {  	s5 =	sor.u32 s5, s17;
	[tilespmem:v4+s31+$0x0] =	vst.idx.msk $0xffff, v2  }
0x1f0: {  	s17 =	sadd.s32 $0x13100, s5;
	[tilespmem:s5+$0x13100] =	vst v0  }
0x1f1: {  	[tilespmem:s17+$0x380] =	vst v0  }
0x1f2: {  	[tilespmem:s17+$0x300] =	vst v0  }
0x1f3: {  	[tilespmem:s17+$0x280] =	vst v0  }
0x1f4: {  	[tilespmem:s17+$0x200] =	vst v0  }
0x1f5: {  	[tilespmem:s17+$0x180] =	vst v0  }
0x1f6: {  	[tilespmem:s17+$0x80] =	vst v0  }
0x1f7: {  	[tilespmem:s17+$0x100] =	vst v0  }
0x1f8: {  	[tilespmem:s5+$0x15100] =	vst v0  }
0x1f9: {  	[tilespmem:s5+$0x17480] =	vst v0  }
0x1fa: {  	[tilespmem:s5+$0x17400] =	vst v0  }
0x1fb: {  	[tilespmem:s5+$0x15300] =	vst v0  }
0x1fc: {  	[tilespmem:s5+$0x17380] =	vst v0  }
0x1fd: {  	[tilespmem:s5+$0x17300] =	vst v0  }
0x1fe: {  	[tilespmem:s5+$0x17280] =	vst v0  }
0x1ff: {  	[tilespmem:s5+$0x17200] =	vst v0  }
0x200: {  	[tilespmem:s5+$0x17180] =	vst v0  }
0x201: {  	[tilespmem:s5+$0x17100] =	vst v0  }
0x202: {  	[tilespmem:s5+$0x15480] =	vst v0  }
0x203: {  	[tilespmem:s5+$0x15400] =	vst v0  }
.Ltmp6:
0x204: {  	[tilespmem:s5+$0x15380] =	vst v0;
	(pc) =	sbr.rel @p6 .LBB2_9-.Ltmp6, $4  }
0x205: {  	[tilespmem:s5+$0x15200] =	vst v0  }
0x206: {  	[tilespmem:s5+$0x15180] =	vst v0  }
0x207: {  	[tilespmem:s5+$0x15280] =	vst v0  }
0x208: {  	v3 =	vld [tilespmem:s3+$0x0]  }
0x209: {  	_ =	sdelay $0x4  }
0x20a: {  	v4 =	vadd.s32 $0x60, v3;
	_ =	sdelay $0x2  }
0x20b: {  	v3 =	vld.idx.msk [tilespmem:v3+s18+$0x0], $0xffff;
	_ =	sdelay $0x1  }
0x20c: {  	v4 =	vld.idx.msk [tilespmem:v4+s18+$0x0], $0xffff;
	_ =	sdelay $0x1  }
0x20d: {  	v6 =	vmov s13  }
0x20e: {  	v5 =	vor.u32 s13, v1;
	v6 =	vshll.u32 v6, $0x3;
	v7 =	vshll.u32 v3, $0xA  }
0x20f: {  	v6 =	vand.u32 $0x1C00, v6;
	v3 =	vshll.u32 v3, $0x7;
	v7 =	vand.u32 $0xFFFFE000, v7  }
0x210: {  	v3 =	vand.u32 $0x380, v3;
	v63 =	vshll.u32 v4, $0xA;
	v4 =	vshll.u32 v4, $0x7  }
0x211: {  	v3 =	vor.u32 v7, v3;
	v7 =	vand.u32 $0xFFFFE000, v63;
	v4 =	vand.u32 $0x380, v4  }
0x212: {  	v5 =	vand.u32 $0x7F, v5;
	v3 =	vor.u32 v6, v3;
	v4 =	vor.u32 v7, v4  }
0x213: {  	v3 =	vor.u32 v5, v3;
	v4 =	vor.u32 v6, v4  }
0x214: {  	v4 =	vor.u32 v5, v4;
	_ =	sdelay $0x3  }
0x215: {  	[tilespmem:v3+s31+$0x0] =	vst.idx.msk $0xffff, v2  }
0x216: {  	s1 =	rddreg [dreg:$0x6];
	[tilespmem:v4+s31+$0x0] =	vst.idx.msk $0xffff, v2  }
0x217: {  	[hbm4b:s1+s23] =	stream.strided.scatter [tilespmem:s31], [sflag:$0x5], $0x6000, s24, s23, $0x38;
	[tilespmem:$0x19100] =	vst v63  }
.LBB2_11:
.Ltmp7:
0x218: {  	(pc) =	sbr.rel @!p5 .LBB2_17-.Ltmp7, $1  }
0x219: {  	_ =	sdelay $0x3  }
0x21a: {  	s30 =	smov.u32 s15;
	s15 =	smov.u32 s12;
	s12 =	smov.u32 s11  }
0x21b: {  	s11 =	smov.u32 s10;
	s10 =	smov.u32 s9;
	s9 =	smov.u32 s8  }
0x21c: {  	s8 =	smov.u32 s7;
	s13 =	simm.s32 $0x0;
	s5 =	simm.s32 $0x4  }
0x21d: {  	_ =	swait.ge [sflag:s5], $0x2A0;
	s3 =	sand.u32 $0x70, s13;
	s1 =	sand.u32 $0x1C00, s13  }
0x21e: {  	s7 =	smov.u32 s6;
	[sflag:s5] =	ssyncset.done $0x0;
	s3 =	sor.u32 s3, s1  }
0x21f: {  	s6 =	smov.u32 s20;
	[sflag:s5] =	ssyncadd.s32 $0xFFFFFD60;
	s20 =	sadd.s32 $0x13100, s3  }
0x220: {  	[tilespmem:s20+$0x280] =	vst v0  }
0x221: {  	[tilespmem:s20+$0x200] =	vst v0  }
0x222: {  	[tilespmem:s20+$0x180] =	vst v0  }
0x223: {  	[tilespmem:s20+$0x100] =	vst v0  }
0x224: {  	[tilespmem:s20+$0x80] =	vst v0  }
0x225: {  	s16 =	simm.s32 $0x10;
	s17 =	simm.s32 $0x0;
	s5 =	sor.u32 s13, s13;
	[tilespmem:s3+$0x13100] =	vst v0  }
.LBB2_13:
0x226: {  	p6 =	sne.s32 s16, $0x2F0;
	[tilespmem:s20+$0x300] =	vst v0;
	s5 =	sor.u32 $0x380, s5  }
0x227: {  	[tilespmem:s5+$0x13100] =	vst v0  }
0x228: {  	[tilespmem:s3+$0x15100] =	vst v0  }
0x229: {  	[tilespmem:s3+$0x15180] =	vst v0  }
0x22a: {  	[tilespmem:s3+$0x15200] =	vst v0  }
0x22b: {  	[tilespmem:s3+$0x15280] =	vst v0  }
0x22c: {  	[tilespmem:s3+$0x15300] =	vst v0  }
0x22d: {  	[tilespmem:s3+$0x15380] =	vst v0  }
0x22e: {  	[tilespmem:s3+$0x15400] =	vst v0  }
0x22f: {  	[tilespmem:s3+$0x15480] =	vst v0  }
0x230: {  	[tilespmem:s3+$0x17100] =	vst v0  }
0x231: {  	[tilespmem:s3+$0x17180] =	vst v0  }
0x232: {  	[tilespmem:s3+$0x17200] =	vst v0  }
0x233: {  	[tilespmem:s3+$0x17280] =	vst v0  }
0x234: {  	s17 =	sadd.s32 $0x80, s17;
	[tilespmem:s3+$0x17300] =	vst v0  }
0x235: {  	s5 =	sand.u32 $0x70, s16;
	s20 =	sand.u32 $0x1C00, s17;
	[tilespmem:s3+$0x17380] =	vst v0  }
0x236: {  	s5 =	sor.u32 s5, s20;
	[tilespmem:s3+$0x17400] =	vst v0  }
0x237: {  	s20 =	sadd.s32 $0x13100, s5;
	[tilespmem:s3+$0x17480] =	vst v0;
	s3 =	smov.u32 s5  }
0x238: {  	[tilespmem:s20+$0x280] =	vst v0  }
.Ltmp8:
0x239: {  	[tilespmem:s20+$0x200] =	vst v0;
	(pc) =	sbr.rel @p6 .LBB2_13-.Ltmp8, $4  }
0x23a: {  	[tilespmem:s20+$0x180] =	vst v0  }
0x23b: {  	[tilespmem:s20+$0x100] =	vst v0  }
0x23c: {  	[tilespmem:s20+$0x80] =	vst v0  }
0x23d: {  	s5 =	sor.u32 s17, s16;
	s16 =	sadd.s32 $0x10, s16;
	[tilespmem:s3+$0x13100] =	vst v0  }
0x23e: {  	[tilespmem:s20+$0x300] =	vst v0;
	s5 =	sor.u32 $0x380, s5  }
0x23f: {  	[tilespmem:s5+$0x13100] =	vst v0  }
0x240: {  	[tilespmem:s3+$0x15100] =	vst v0  }
0x241: {  	[tilespmem:s3+$0x15180] =	vst v0  }
0x242: {  	[tilespmem:s3+$0x15200] =	vst v0  }
0x243: {  	[tilespmem:s3+$0x15280] =	vst v0  }
0x244: {  	[tilespmem:s3+$0x15300] =	vst v0  }
0x245: {  	[tilespmem:s3+$0x15380] =	vst v0  }
0x246: {  	[tilespmem:s3+$0x15400] =	vst v0  }
0x247: {  	[tilespmem:s3+$0x15480] =	vst v0  }
0x248: {  	[tilespmem:s3+$0x17100] =	vst v0  }
0x249: {  	[tilespmem:s3+$0x17180] =	vst v0  }
0x24a: {  	[tilespmem:s3+$0x17200] =	vst v0  }
0x24b: {  	[tilespmem:s3+$0x17280] =	vst v0  }
0x24c: {  	[tilespmem:s3+$0x17300] =	vst v0  }
0x24d: {  	[tilespmem:s3+$0x17380] =	vst v0  }
0x24e: {  	s17 =	sand.u32 $0x70, s13;
	[tilespmem:s3+$0x17400] =	vst v0  }
0x24f: {  	s20 =	sor.u32 s17, s1;
	[tilespmem:s3+$0x17480] =	vst v0  }
0x250: {  	s1 =	sadd.s32 $0x13100, s20;
	[tilespmem:s20+$0x13100] =	vst v0  }
0x251: {  	[tilespmem:s1+$0x380] =	vst v0  }
0x252: {  	[tilespmem:s1+$0x300] =	vst v0  }
0x253: {  	[tilespmem:s1+$0x280] =	vst v0  }
0x254: {  	[tilespmem:s1+$0x200] =	vst v0  }
0x255: {  	[tilespmem:s1+$0x180] =	vst v0  }
0x256: {  	[tilespmem:s1+$0x80] =	vst v0  }
0x257: {  	[tilespmem:s1+$0x100] =	vst v0  }
0x258: {  	[tilespmem:s20+$0x15100] =	vst v0  }
0x259: {  	[tilespmem:s20+$0x17480] =	vst v0  }
0x25a: {  	[tilespmem:s20+$0x17400] =	vst v0  }
0x25b: {  	[tilespmem:s20+$0x15300] =	vst v0  }
0x25c: {  	[tilespmem:s20+$0x17380] =	vst v0  }
0x25d: {  	[tilespmem:s20+$0x17300] =	vst v0  }
0x25e: {  	[tilespmem:s20+$0x17280] =	vst v0  }
0x25f: {  	[tilespmem:s20+$0x17200] =	vst v0  }
0x260: {  	[tilespmem:s20+$0x17180] =	vst v0  }
0x261: {  	[tilespmem:s20+$0x17100] =	vst v0  }
0x262: {  	[tilespmem:s20+$0x15480] =	vst v0  }
0x263: {  	[tilespmem:s20+$0x15400] =	vst v0  }
0x264: {  	[tilespmem:s20+$0x15380] =	vst v0  }
0x265: {  	[tilespmem:s20+$0x15200] =	vst v0  }
0x266: {  	[tilespmem:s20+$0x15180] =	vst v0  }
0x267: {  	s1 =	simm.s32 $0xC00;
	[tilespmem:s20+$0x15280] =	vst v0  }
0x268: {  	v3 =	vld [tilespmem:s1+$0x0];
	_ =	sdelay $0x2  }
0x269: {  	s16 =	simm.s32 $0x10;
	s3 =	simm.s32 $0x0  }
.LBB2_15:
0x26a: {  	p6 =	sne.s32 s16, $0x290;
	s13 =	sadd.s32 $0x80, s13;
	s1 =	sadd.s32 $0x10, s1  }
0x26b: {  	v4 =	vadd.s32 $0x60, v3;
	s5 =	smov.u32 s16;
	s16 =	sadd.s32 $0x10, s16;
	_ =	sdelay $0x2  }
0x26c: {  	v3 =	vld.idx.msk [tilespmem:v3+s18+$0x0], $0xffff;
	_ =	sdelay $0x1  }
0x26d: {  	v4 =	vld.idx.msk [tilespmem:v4+s18+$0x0], $0xffff;
	_ =	sdelay $0x2  }
0x26e: {  	v5 =	vor.u32 s3, v1  }
0x26f: {  	v6 =	vmov s3;
	s3 =	smov.u32 s5;
	v7 =	vshll.u32 v3, $0xA;
	v3 =	vshll.u32 v3, $0x7  }
0x270: {  	v6 =	vshll.u32 v6, $0x3;
	v7 =	vand.u32 $0xFFFFE000, v7;
	v3 =	vand.u32 $0x380, v3  }
0x271: {  	v3 =	vor.u32 v7, v3;
	v7 =	vshll.u32 v4, $0xA;
	v4 =	vshll.u32 v4, $0x7  }
0x272: {  	v6 =	vand.u32 $0x1C00, v6;
	v7 =	vand.u32 $0xFFFFE000, v7;
	v4 =	vand.u32 $0x380, v4  }
0x273: {  	v5 =	vand.u32 $0x7F, v5;
	v3 =	vor.u32 v6, v3;
	v4 =	vor.u32 v7, v4  }
0x274: {  	v3 =	vor.u32 v5, v3;
	v4 =	vor.u32 v6, v4  }
0x275: {  	v4 =	vor.u32 v5, v4;
	_ =	sdelay $0x3  }
0x276: {  	s17 =	sand.u32 $0x1C00, s13;
	s5 =	sand.u32 $0x70, s3;
	[tilespmem:v3+s31+$0x0] =	vst.idx.msk $0xffff, v2  }
0x277: {  	s5 =	sor.u32 s5, s17;
	[tilespmem:v4+s31+$0x0] =	vst.idx.msk $0xffff, v2  }
0x278: {  	s17 =	sadd.s32 $0x13100, s5;
	[tilespmem:s5+$0x13100] =	vst v0  }
0x279: {  	[tilespmem:s17+$0x380] =	vst v0  }
0x27a: {  	[tilespmem:s17+$0x300] =	vst v0  }
0x27b: {  	[tilespmem:s17+$0x280] =	vst v0  }
0x27c: {  	[tilespmem:s17+$0x200] =	vst v0  }
0x27d: {  	[tilespmem:s17+$0x180] =	vst v0  }
0x27e: {  	[tilespmem:s17+$0x80] =	vst v0  }
0x27f: {  	[tilespmem:s17+$0x100] =	vst v0  }
0x280: {  	[tilespmem:s5+$0x15100] =	vst v0  }
0x281: {  	[tilespmem:s5+$0x17480] =	vst v0  }
0x282: {  	[tilespmem:s5+$0x17400] =	vst v0  }
0x283: {  	[tilespmem:s5+$0x15300] =	vst v0  }
0x284: {  	[tilespmem:s5+$0x17380] =	vst v0  }
0x285: {  	[tilespmem:s5+$0x17300] =	vst v0  }
0x286: {  	[tilespmem:s5+$0x17280] =	vst v0  }
0x287: {  	[tilespmem:s5+$0x17200] =	vst v0  }
0x288: {  	[tilespmem:s5+$0x17180] =	vst v0  }
0x289: {  	[tilespmem:s5+$0x17100] =	vst v0  }
0x28a: {  	[tilespmem:s5+$0x15480] =	vst v0  }
0x28b: {  	[tilespmem:s5+$0x15400] =	vst v0  }
.Ltmp9:
0x28c: {  	[tilespmem:s5+$0x15380] =	vst v0;
	(pc) =	sbr.rel @p6 .LBB2_15-.Ltmp9, $4  }
0x28d: {  	[tilespmem:s5+$0x15200] =	vst v0  }
0x28e: {  	[tilespmem:s5+$0x15180] =	vst v0  }
0x28f: {  	[tilespmem:s5+$0x15280] =	vst v0  }
0x290: {  	v3 =	vld [tilespmem:s1+$0x0]  }
.Ltmp10:
0x291: {  	_ = 	snop;
	(pc) =	sbr.rel .LBB2_16-.Ltmp10, $1  }
0x292: {  	_ =	sdelay $0x3  }
.LBB2_18:
0x293: {  	_ =	sfence.sel $0x180000  }
0x294: {  	[bflag:$0x0] =	sbarrier.arrive $0xFFFF  }
0x295: {  	_ =	strace $0x90000047  }
0x296: {  	s0 =	stileid.u32;
	[bflag:$0x2] =	sbarrier.arrive $0xFFFF  }
0x297: {  	p0 =	sne.s32 s0, $0x0;
	s0 =	rddreg [dreg:$0x4]  }
0x298: {  	s0 =	sadd.s32 @!p0 $0x100000, s0  }
0x299: {  	[sflag:s0] =	ssyncadd.tile.s32 @!p0 $0x1;
	_ =	shalt  }
.Lfunc_end2:
_tile_overlayer_lowered:
.L_overlay_start_2:
0x29a: {  	(tag) =	ssettag $0x2  }
0x29b: {  	s0 =	rddreg [dreg:$0x0];
	s2 =	stileid.u32  }
0x29c: {  	s1 =	rddreg [dreg:$0x1];
	p0 =	sne.s32 s2, $0x0  }
0x29d: {  	s3 =	rddreg [dreg:$0x2];
	[bflag:$0x3] =	sbarrier.arrive $0xFFFF;
	s2 =	simm.s32 @!p0 $0x1C06  }
0x29e: {  	[timem:s3], [sflag:s2] =	dma.local @!p0 [hbm:s0], s1  }
0x29f: {  	s0 =	simm.s32 @!p0 $0x6  }
0x2a0: {  	_ =	swait.ge @!p0 [sflag:s0], s1  }
0x2a1: {  	s1 =	ssub.s32 @!p0 $0x0, s1;
	[sflag:s0] =	ssyncset.done @!p0 $0x0  }
0x2a2: {  	[sflag:s0] =	ssyncadd.s32 @!p0 s1  }
0x2a3: {  	[bflag:$0x3] =	sbarrier.arrive $0xFFFF  }
0x2a4: {  	_ =	shalt  }

</sc_bundles>
